<compile_context>
chip_gen: v7x
topology: tpu7x:2x2x1
jax: 0.10.2.dev20260603
libtpu: 0.0.44.dev20260713+nightly
codegen_flags: <defaults>
</compile_context>

<pallas_src>
import functools

import jax
import jax.numpy as jnp
from jax import lax
from jax.experimental import pallas as pl
from jax.experimental.pallas import tpu as pltpu
from jax.experimental.pallas import tpu_sc as plsc

N = 10000
E = 320000
D = 128
CLS = 64
NC = 2
NS = 16
NW = NC * NS
CHUNK = 128
N_CHUNKS = 80
HALF = N_CHUNKS // 2
E_PER_W = CHUNK * N_CHUNKS
E_PAD = E_PER_W * NW
PAD_PER_W = 240
N_PAD = 10496
SPARE_PER_W = 15
ROWS_PER_TILE = N_PAD // NS
ZROWS = 40
CZROWS = 160
CW = 128


_MESH = plsc.VectorSubcoreMesh(core_axis_name="c", subcore_axis_name="s")


def _build_agg(interpret=False):
  @functools.partial(
    pl.kernel, mesh=_MESH, interpret=interpret,
    out_type=jax.ShapeDtypeStruct((NC, N_PAD, D), jnp.float32),
    scratch_types=[
        pltpu.VMEM((HALF, CHUNK), jnp.int32),
        pltpu.VMEM((HALF, CHUNK), jnp.int32),
        pltpu.VMEM((CHUNK, D), jnp.float32),
        pltpu.VMEM((CHUNK, D), jnp.float32),
        pltpu.VMEM_SHARED((N_PAD, D), jnp.float32),
        pltpu.SemaphoreType.DMA,
        pltpu.SemaphoreType.DMA,
        pltpu.SemaphoreType.DMA,
        pltpu.SemaphoreType.DMA,
    ])
  def _agg(table, src, dst, zrows, out,
           src_blk, dst_blk, rows_v0, rows_v1, acc,
           gsem0, gsem1, ssem0, ssem1):
    cid = lax.axis_index("c")
    sid = lax.axis_index("s")
    wid = sid * NC + cid

    row0 = sid * ROWS_PER_TILE
    pltpu.sync_copy(zrows, acc.at[pl.ds(row0, ROWS_PER_TILE)])
    plsc.subcore_barrier()

    rows = (rows_v0, rows_v1)
    gsems = (gsem0, gsem1)
    ssems = (ssem0, ssem1)

    def gather_start(j, b):
        pltpu.async_copy(table.at[src_blk.at[j]], rows[b], gsems[b])

    def gather_wait(j, b):
        pltpu.make_async_copy(table.at[src_blk.at[j]], rows[b], gsems[b]).wait()

    def scatter_start(j, b):
        pltpu.async_copy(rows[b], acc.at[dst_blk.at[j]], ssems[b], add=True)

    def scatter_wait(j, b):
        pltpu.make_async_copy(rows[b], acc.at[dst_blk.at[j]], ssems[b]).wait()

    for h in range(N_CHUNKS // HALF):
        blk0 = wid * N_CHUNKS + h * HALF
        pltpu.sync_copy(src.at[pl.ds(blk0, HALF)], src_blk)
        pltpu.sync_copy(dst.at[pl.ds(blk0, HALF)], dst_blk)

        gather_start(0, 0)
        gather_wait(0, 0)
        scatter_start(0, 0)
        gather_start(1, 1)

        def pair(i, _):
            j = 2 * i + 1
            gather_wait(j, 1)
            scatter_wait(j - 1, 0)
            scatter_start(j, 1)
            gather_start(j + 1, 0)
            gather_wait(j + 1, 0)
            scatter_wait(j, 1)
            scatter_start(j + 1, 0)
            gather_start(j + 2, 1)
            return 0
        lax.fori_loop(0, HALF // 2 - 1, pair, 0)

        gather_wait(HALF - 1, 1)
        scatter_wait(HALF - 2, 0)
        scatter_start(HALF - 1, 1)
        scatter_wait(HALF - 1, 1)

    plsc.subcore_barrier()
    pltpu.sync_copy(acc.at[pl.ds(row0, ROWS_PER_TILE)],
                    out.at[cid, pl.ds(row0, ROWS_PER_TILE)])

  return _agg


def _build_cnt(interpret=False):
  @functools.partial(
    pl.kernel, mesh=_MESH, interpret=interpret,
    out_type=jax.ShapeDtypeStruct((NC, N_PAD, CW), jnp.float32),
    scratch_types=[
        pltpu.VMEM((N_CHUNKS, CHUNK), jnp.int32),
        pltpu.VMEM((CHUNK, CW), jnp.float32),
        pltpu.VMEM_SHARED((N_PAD, CW), jnp.float32),
    ])
  def _cnt(dst, ones, zrows, cnt_out, dst_blk, ones_v, cacc):
    cid = lax.axis_index("c")
    sid = lax.axis_index("s")
    wid = sid * NC + cid

    pltpu.sync_copy(ones, ones_v)
    row0 = sid * ROWS_PER_TILE
    pltpu.sync_copy(zrows, cacc.at[pl.ds(row0, ROWS_PER_TILE)])
    pltpu.sync_copy(dst.at[pl.ds(wid * N_CHUNKS, N_CHUNKS)], dst_blk)
    plsc.subcore_barrier()

    def step(j, _):
        pltpu.sync_copy(ones_v, cacc.at[dst_blk.at[j]], add=True)
        return 0
    lax.fori_loop(0, N_CHUNKS, step, 0)

    plsc.subcore_barrier()
    pltpu.sync_copy(cacc.at[pl.ds(row0, ROWS_PER_TILE)],
                    cnt_out.at[cid, pl.ds(row0, ROWS_PER_TILE)])

  return _cnt


_agg = _build_agg()
_cnt = _build_cnt()

RB = 2000


def _sage_body(p0, p1, c0, c1, h, wl, wr, b, o):
    cnt = jnp.maximum(c0[:, 0:1] + c1[:, 0:1], 1.0)
    mean = (p0[...] + p1[...]) / cnt
    acc = jnp.dot(mean, wl[...], preferred_element_type=jnp.float32)
    acc += jnp.dot(h[...], wr[...], preferred_element_type=jnp.float32)
    o[...] = jnp.maximum(acc + b[...], 0.0)


def _final_body(p0, p1, c0, c1, h, wl, wr, b, wc, bc, o):
    cnt = jnp.maximum(c0[:, 0:1] + c1[:, 0:1], 1.0)
    mean = (p0[...] + p1[...]) / cnt
    acc = jnp.dot(mean, wl[...], preferred_element_type=jnp.float32)
    acc += jnp.dot(h[...], wr[...], preferred_element_type=jnp.float32)
    h2 = jnp.maximum(acc + b[...], 0.0)
    o[...] = jnp.dot(h2, wc[...], preferred_element_type=jnp.float32) + bc[...]


def _row_spec(w):
    return pl.BlockSpec((RB, w), lambda i: (i, 0))


def _full_spec(r, c):
    return pl.BlockSpec((r, c), lambda i: (0, 0))


def _sage_tc(p0, p1, c0, c1, h, wl, wr, b):
    return pl.pallas_call(
        _sage_body,
        grid=(N // RB,),
        in_specs=[_row_spec(D), _row_spec(D), _row_spec(CW), _row_spec(CW),
                  _row_spec(D), _full_spec(D, D), _full_spec(D, D),
                  _full_spec(1, D)],
        out_specs=_row_spec(D),
        out_shape=jax.ShapeDtypeStruct((N, D), jnp.float32),
    )(p0, p1, c0, c1, h, wl, wr, b)


def _final_tc(p0, p1, c0, c1, h, wl, wr, b, wc, bc):
    return pl.pallas_call(
        _final_body,
        grid=(N // RB,),
        in_specs=[_row_spec(D), _row_spec(D), _row_spec(CW), _row_spec(CW),
                  _row_spec(D), _full_spec(D, D), _full_spec(D, D),
                  _full_spec(1, D), _full_spec(D, CLS), _full_spec(1, CLS)],
        out_specs=_row_spec(CLS),
        out_shape=jax.ShapeDtypeStruct((N, CLS), jnp.float32),
    )(p0, p1, c0, c1, h, wl, wr, b, wc, bc)


def kernel(x, edge_index, W1_l, b1, W1_r, W2_l, b2, W2_r, Wc, bc):
    ei = edge_index.astype(jnp.int32)
    w = jnp.arange(NW, dtype=jnp.int32)[:, None]
    i = jnp.arange(PAD_PER_W, dtype=jnp.int32)[None, :]
    pad_src = (w * 320 + i) % N
    pad_dst = N + w * SPARE_PER_W + (i % SPARE_PER_W)
    src = jnp.concatenate(
        [ei[0].reshape(NW, E // NW), pad_src], axis=1).reshape(
            NW * N_CHUNKS, CHUNK)
    dst = jnp.concatenate(
        [ei[1].reshape(NW, E // NW), pad_dst], axis=1).reshape(
            NW * N_CHUNKS, CHUNK)
    zrows = jnp.zeros((ROWS_PER_TILE, D), jnp.float32)
    ones = jnp.ones((CHUNK, CW), jnp.float32)
    cnts = _cnt(dst, ones, zrows)
    parts1 = _agg(x, src, dst, zrows)
    c0, c1 = cnts[0], cnts[1]
    h1 = _sage_tc(parts1[0], parts1[1], c0, c1, x,
                  W1_l, W1_r, b1.reshape(1, D))
    parts2 = _agg(h1, src, dst, zrows)
    return _final_tc(parts2[0], parts2[1], c0, c1, h1,
                     W2_l, W2_r, b2.reshape(1, D), Wc, bc.reshape(1, CLS))

# --- scband reference (transcript-rebuilt; emitter-appended) ---
"""Pipeline reference for scband-gnnmodel-51977694216572 (READ-ONLY COPY).

The authoritative reference and input builder live on the scoring server;
editing this copy changes nothing except your own understanding.
"""

import jax, jax.numpy as jnp
import numpy as np

N_NODES = 10000
N_EDGES = 320000
D_IN = 128
D_HID = 128
N_CLS = 64


def setup_inputs(seed: int = 0) -> dict:
    key = jax.random.key(seed)
    ks = jax.random.split(key, 12)
    x = jax.random.normal(ks[0], (N_NODES, D_IN), dtype=jnp.float32)
    edge_index = jax.random.randint(ks[1], (2, N_EDGES), 0, N_NODES, dtype=jnp.int64)
    s1 = 1.0 / np.sqrt(D_IN)
    s2 = 1.0 / np.sqrt(D_HID)
    W1_l = jax.random.uniform(ks[2], (D_IN, D_HID), jnp.float32, -s1, s1)
    b1 = jax.random.uniform(ks[3], (D_HID,), jnp.float32, -s1, s1)
    W1_r = jax.random.uniform(ks[4], (D_IN, D_HID), jnp.float32, -s1, s1)
    W2_l = jax.random.uniform(ks[5], (D_HID, D_HID), jnp.float32, -s2, s2)
    b2 = jax.random.uniform(ks[6], (D_HID,), jnp.float32, -s2, s2)
    W2_r = jax.random.uniform(ks[7], (D_HID, D_HID), jnp.float32, -s2, s2)
    Wc = jax.random.uniform(ks[8], (D_HID, N_CLS), jnp.float32, -s2, s2)
    bc = jax.random.uniform(ks[9], (N_CLS,), jnp.float32, -s2, s2)
    return {"x": x, "edge_index": edge_index, "W1_l": W1_l, "b1": b1, "W1_r": W1_r,
            "W2_l": W2_l, "b2": b2, "W2_r": W2_r, "Wc": Wc, "bc": bc}


def _sage_conv(x, edge_index, W_l, b, W_r):
    # PyG SAGEConv with mean aggregation:
    # out = lin_l(mean_{j in N(i)} x_j) + lin_r(x_i)
    src = edge_index[0]
    dst = edge_index[1]
    n = x.shape[0]
    msgs = jnp.take(x, src, axis=0)                               # gather [E, d]
    summed = jax.ops.segment_sum(msgs, dst, num_segments=n)      # scatter-add [N, d]
    cnt = jax.ops.segment_sum(jnp.ones((msgs.shape[0], 1), x.dtype), dst, num_segments=n)
    mean = summed / jnp.maximum(cnt, 1.0)
    return mean @ W_l + b + x @ W_r


def reference(x, edge_index, W1_l, b1, W1_r, W2_l, b2, W2_r, Wc, bc):
    h = _sage_conv(x, edge_index, W1_l, b1, W1_r)
    h = jax.nn.relu(h)
    h = _sage_conv(h, edge_index, W2_l, b2, W2_r)
    h = jax.nn.relu(h)
    # dropout is identity in eval mode
    return h @ Wc + bc

if __name__ == "__main__":
    import jax
    _d = setup_inputs()
    print(jax.jit(kernel)(*tuple(_d.values())))

</pallas_src>

<mosaic_0001>
#map = affine_map<(d0, d1) -> (0, 0)>
#map1 = affine_map<(d0, d1) -> (0, 0, 0)>
module attributes {stable_mosaic.version = 14 : i64} {
  func.func @_agg(%arg0: i32, %arg1: i32, %arg2: memref<10000x128xf32, #tpu.memory_space<hbm>>, %arg3: memref<2560x128xi32, #tpu.memory_space<hbm>>, %arg4: memref<2560x128xi32, #tpu.memory_space<hbm>>, %arg5: memref<656x128xf32, #tpu.memory_space<hbm>>, %arg6: memref<2x10496x128xf32, #tpu.memory_space<hbm>>, %arg7: memref<40x128xi32, #tpu.memory_space<vmem>>, %arg8: memref<40x128xi32, #tpu.memory_space<vmem>>, %arg9: memref<128x128xf32, #tpu.memory_space<vmem>>, %arg10: memref<128x128xf32, #tpu.memory_space<vmem>>, %arg11: memref<10496x128xf32, #tpu.memory_space<vmem_shared>>, %arg12: memref<!tpu.dma_semaphore, #tpu.memory_space<semaphore_mem>>, %arg13: memref<!tpu.dma_semaphore, #tpu.memory_space<semaphore_mem>>, %arg14: memref<!tpu.dma_semaphore, #tpu.memory_space<semaphore_mem>>, %arg15: memref<!tpu.dma_semaphore, #tpu.memory_space<semaphore_mem>>) attributes {dimension_semantics = [#tpu.dimension_semantics<core_parallel>, #tpu.dimension_semantics<subcore_parallel>], iteration_bounds = array<i64: 2, 16>, scalar_prefetch = 0 : i64, scratch_operands = 9 : i64, tpu.core_type = #tpu.core_type<sc_vector_subcore>, window_params = [{transform_indices = #map}, {transform_indices = #map}, {transform_indices = #map}, {transform_indices = #map}, {transform_indices = #map1}]} {
    %mul3A = arith.constant 2 : i32
    %mul3A_0 = arith.muli %arg1, %mul3A : i32
    %add3A = arith.addi %mul3A_0, %arg0 : i32
    %mul3A_1 = arith.constant 656 : i32
    %mul3A_2 = arith.muli %arg1, %mul3A_1 : i32
    "tpu.region"() ({
      %run_scoped3A = tpu.sem_alloc : memref<!tpu.dma_semaphore, #tpu.memory_space<semaphore_mem>>
      %dma_start3A_135 = arith.constant 0 : i32
      %dma_start3A_136 = tpu.memref_slice %arg11[%mul3A_2, %dma_start3A_135] : memref<10496x128xf32, #tpu.memory_space<vmem_shared>> -> memref<656x128xf32, #tpu.memory_space<vmem_shared>>
      tpu.enqueue_dma source(%arg5 : memref<656x128xf32, #tpu.memory_space<hbm>>) target(%dma_start3A_136 : memref<656x128xf32, #tpu.memory_space<vmem_shared>>) target_semaphore(%run_scoped3A : memref<!tpu.dma_semaphore, #tpu.memory_space<semaphore_mem>>)
      %dma_wait3A_137 = arith.constant 0 : i32
      %dma_wait3A_138 = tpu.memref_slice %arg11[%mul3A_2, %dma_wait3A_137] : memref<10496x128xf32, #tpu.memory_space<vmem_shared>> -> memref<656x128xf32, #tpu.memory_space<vmem_shared>>
      tpu.wait_dma2 semaphore(%run_scoped3A : memref<!tpu.dma_semaphore, #tpu.memory_space<semaphore_mem>>) src(%arg5 : memref<656x128xf32, #tpu.memory_space<hbm>>) dst(%dma_wait3A_138 : memref<656x128xf32, #tpu.memory_space<vmem_shared>>)
      tpu.yield
    }) : () -> ()
    %barrier3A = arith.constant 0 : index
    tpu.barrier barrier_id(%barrier3A)
    %mul3A_3 = arith.constant 80 : i32
    %mul3A_4 = arith.muli %add3A, %mul3A_3 : i32
    %add3A_5 = arith.constant 0 : i32
    %add3A_6 = arith.addi %mul3A_4, %add3A_5 : i32
    "tpu.region"() ({
      %run_scoped3A = tpu.sem_alloc : memref<!tpu.dma_semaphore, #tpu.memory_space<semaphore_mem>>
      %dma_start3A_135 = arith.constant 0 : i32
      %dma_start3A_136 = tpu.memref_slice %arg3[%add3A_6, %dma_start3A_135] : memref<2560x128xi32, #tpu.memory_space<hbm>> -> memref<40x128xi32, #tpu.memory_space<hbm>>
      %dma_start3A_137 = arith.constant 0 : i32
      %dma_start3A_138 = tpu.memref_slice %arg3[%add3A_6, %dma_start3A_137] : memref<2560x128xi32, #tpu.memory_space<hbm>> -> memref<40x128xi32, #tpu.memory_space<hbm>>
      tpu.enqueue_dma source(%dma_start3A_138 : memref<40x128xi32, #tpu.memory_space<hbm>>) target(%arg7 : memref<40x128xi32, #tpu.memory_space<vmem>>) target_semaphore(%run_scoped3A : memref<!tpu.dma_semaphore, #tpu.memory_space<semaphore_mem>>)
      %dma_wait3A_139 = arith.constant 0 : i32
      %dma_wait3A_140 = tpu.memref_slice %arg3[%add3A_6, %dma_wait3A_139] : memref<2560x128xi32, #tpu.memory_space<hbm>> -> memref<40x128xi32, #tpu.memory_space<hbm>>
      %dma_wait3A_141 = arith.constant 0 : i32
      %dma_wait3A_142 = tpu.memref_slice %arg3[%add3A_6, %dma_wait3A_141] : memref<2560x128xi32, #tpu.memory_space<hbm>> -> memref<40x128xi32, #tpu.memory_space<hbm>>
      tpu.wait_dma2 semaphore(%run_scoped3A : memref<!tpu.dma_semaphore, #tpu.memory_space<semaphore_mem>>) src(%dma_wait3A_142 : memref<40x128xi32, #tpu.memory_space<hbm>>) dst(%arg7 : memref<40x128xi32, #tpu.memory_space<vmem>>)
      tpu.yield
    }) : () -> ()
    "tpu.region"() ({
      %run_scoped3A = tpu.sem_alloc : memref<!tpu.dma_semaphore, #tpu.memory_space<semaphore_mem>>
      %dma_start3A_135 = arith.constant 0 : i32
      %dma_start3A_136 = tpu.memref_slice %arg4[%add3A_6, %dma_start3A_135] : memref<2560x128xi32, #tpu.memory_space<hbm>> -> memref<40x128xi32, #tpu.memory_space<hbm>>
      %dma_start3A_137 = arith.constant 0 : i32
      %dma_start3A_138 = tpu.memref_slice %arg4[%add3A_6, %dma_start3A_137] : memref<2560x128xi32, #tpu.memory_space<hbm>> -> memref<40x128xi32, #tpu.memory_space<hbm>>
      tpu.enqueue_dma source(%dma_start3A_138 : memref<40x128xi32, #tpu.memory_space<hbm>>) target(%arg8 : memref<40x128xi32, #tpu.memory_space<vmem>>) target_semaphore(%run_scoped3A : memref<!tpu.dma_semaphore, #tpu.memory_space<semaphore_mem>>)
      %dma_wait3A_139 = arith.constant 0 : i32
      %dma_wait3A_140 = tpu.memref_slice %arg4[%add3A_6, %dma_wait3A_139] : memref<2560x128xi32, #tpu.memory_space<hbm>> -> memref<40x128xi32, #tpu.memory_space<hbm>>
      %dma_wait3A_141 = arith.constant 0 : i32
      %dma_wait3A_142 = tpu.memref_slice %arg4[%add3A_6, %dma_wait3A_141] : memref<2560x128xi32, #tpu.memory_space<hbm>> -> memref<40x128xi32, #tpu.memory_space<hbm>>
      tpu.wait_dma2 semaphore(%run_scoped3A : memref<!tpu.dma_semaphore, #tpu.memory_space<semaphore_mem>>) src(%dma_wait3A_142 : memref<40x128xi32, #tpu.memory_space<hbm>>) dst(%arg8 : memref<40x128xi32, #tpu.memory_space<vmem>>)
      tpu.yield
    }) : () -> ()
    %dma_start3A = arith.constant 0 : i32
    %dma_start3A_7 = arith.constant 0 : i32
    %dma_start3A_8 = tpu.memref_slice %arg7[%dma_start3A, %dma_start3A_7] : memref<40x128xi32, #tpu.memory_space<vmem>> -> memref<1x128xi32, #tpu.memory_space<vmem>>
    %dma_start3A_9 = tpu.memref_squeeze %dma_start3A_8 : memref<1x128xi32, #tpu.memory_space<vmem>> -> memref<128xi32, #tpu.memory_space<vmem>>
    %dma_start3A_10 = arith.constant 0 : i32
    %dma_start3A_11 = arith.constant 0 : i32
    %dma_start3A_12 = tpu.memref_slice %arg2[%dma_start3A_10, %dma_start3A_11] : memref<10000x128xf32, #tpu.memory_space<hbm>> -> memref<10000x128xf32, #tpu.memory_space<hbm>>
    tpu.enqueue_indirect_dma source(%dma_start3A_12 : memref<10000x128xf32, #tpu.memory_space<hbm>>) target(%arg9 : memref<128x128xf32, #tpu.memory_space<vmem>>) offsets(%dma_start3A_9 : memref<128xi32, #tpu.memory_space<vmem>>) semaphore(%arg12 : memref<!tpu.dma_semaphore, #tpu.memory_space<semaphore_mem>>)
    %dma_wait3A = arith.constant 0 : i32
    %dma_wait3A_13 = arith.constant 0 : i32
    %dma_wait3A_14 = tpu.memref_slice %arg7[%dma_wait3A, %dma_wait3A_13] : memref<40x128xi32, #tpu.memory_space<vmem>> -> memref<1x128xi32, #tpu.memory_space<vmem>>
    %dma_wait3A_15 = tpu.memref_squeeze %dma_wait3A_14 : memref<1x128xi32, #tpu.memory_space<vmem>> -> memref<128xi32, #tpu.memory_space<vmem>>
    %dma_wait3A_16 = arith.constant 0 : i32
    %dma_wait3A_17 = arith.constant 0 : i32
    %dma_wait3A_18 = tpu.memref_slice %arg2[%dma_wait3A_16, %dma_wait3A_17] : memref<10000x128xf32, #tpu.memory_space<hbm>> -> memref<10000x128xf32, #tpu.memory_space<hbm>>
    tpu.wait_indirect_dma semaphore(%arg12 : memref<!tpu.dma_semaphore, #tpu.memory_space<semaphore_mem>>) src(%dma_wait3A_18 : memref<10000x128xf32, #tpu.memory_space<hbm>>) dst(%arg9 : memref<128x128xf32, #tpu.memory_space<vmem>>)
    %dma_start3A_19 = arith.constant 0 : i32
    %dma_start3A_20 = arith.constant 0 : i32
    %dma_start3A_21 = tpu.memref_slice %arg8[%dma_start3A_19, %dma_start3A_20] : memref<40x128xi32, #tpu.memory_space<vmem>> -> memref<1x128xi32, #tpu.memory_space<vmem>>
    %dma_start3A_22 = tpu.memref_squeeze %dma_start3A_21 : memref<1x128xi32, #tpu.memory_space<vmem>> -> memref<128xi32, #tpu.memory_space<vmem>>
    %dma_start3A_23 = arith.constant 0 : i32
    %dma_start3A_24 = arith.constant 0 : i32
    %dma_start3A_25 = tpu.memref_slice %arg11[%dma_start3A_23, %dma_start3A_24] : memref<10496x128xf32, #tpu.memory_space<vmem_shared>> -> memref<10496x128xf32, #tpu.memory_space<vmem_shared>>
    tpu.enqueue_indirect_dma source(%arg9 : memref<128x128xf32, #tpu.memory_space<vmem>>) target(%dma_start3A_25 : memref<10496x128xf32, #tpu.memory_space<vmem_shared>>) offsets(%dma_start3A_22 : memref<128xi32, #tpu.memory_space<vmem>>) semaphore(%arg14 : memref<!tpu.dma_semaphore, #tpu.memory_space<semaphore_mem>>) {add = true}
    %dma_start3A_26 = arith.constant 1 : i32
    %dma_start3A_27 = arith.constant 0 : i32
    %dma_start3A_28 = tpu.memref_slice %arg7[%dma_start3A_26, %dma_start3A_27] : memref<40x128xi32, #tpu.memory_space<vmem>> -> memref<1x128xi32, #tpu.memory_space<vmem>>
    %dma_start3A_29 = tpu.memref_squeeze %dma_start3A_28 : memref<1x128xi32, #tpu.memory_space<vmem>> -> memref<128xi32, #tpu.memory_space<vmem>>
    %dma_start3A_30 = arith.constant 0 : i32
    %dma_start3A_31 = arith.constant 0 : i32
    %dma_start3A_32 = tpu.memref_slice %arg2[%dma_start3A_30, %dma_start3A_31] : memref<10000x128xf32, #tpu.memory_space<hbm>> -> memref<10000x128xf32, #tpu.memory_space<hbm>>
    tpu.enqueue_indirect_dma source(%dma_start3A_32 : memref<10000x128xf32, #tpu.memory_space<hbm>>) target(%arg10 : memref<128x128xf32, #tpu.memory_space<vmem>>) offsets(%dma_start3A_29 : memref<128xi32, #tpu.memory_space<vmem>>) semaphore(%arg13 : memref<!tpu.dma_semaphore, #tpu.memory_space<semaphore_mem>>)
    %scan3A = arith.constant 0 : i32
    %scan3A_33 = arith.constant 0 : i32
    %scan3A_34 = arith.constant 19 : i32
    %scan3A_35 = arith.addi %scan3A_33, %scan3A_34 : i32
    %scan3A_36 = arith.constant 1 : i32
    %scan3A_37 = scf.for %scan3A_135 = %scan3A_33 to %scan3A_35 step %scan3A_36 iter_args(%scan3A_136 = %scan3A) -> (i32)  : i32 {
      %mul3A_137 = arith.constant 2 : i32
      %mul3A_138 = arith.muli %mul3A_137, %scan3A_135 : i32
      %add3A_139 = arith.constant 1 : i32
      %add3A_140 = arith.addi %mul3A_138, %add3A_139 : i32
      %dma_wait3A_141 = arith.constant 0 : i32
      %dma_wait3A_142 = tpu.memref_slice %arg7[%add3A_140, %dma_wait3A_141] : memref<40x128xi32, #tpu.memory_space<vmem>> -> memref<1x128xi32, #tpu.memory_space<vmem>>
      %dma_wait3A_143 = tpu.memref_squeeze %dma_wait3A_142 : memref<1x128xi32, #tpu.memory_space<vmem>> -> memref<128xi32, #tpu.memory_space<vmem>>
      %dma_wait3A_144 = arith.constant 0 : i32
      %dma_wait3A_145 = arith.constant 0 : i32
      %dma_wait3A_146 = tpu.memref_slice %arg2[%dma_wait3A_144, %dma_wait3A_145] : memref<10000x128xf32, #tpu.memory_space<hbm>> -> memref<10000x128xf32, #tpu.memory_space<hbm>>
      tpu.wait_indirect_dma semaphore(%arg13 : memref<!tpu.dma_semaphore, #tpu.memory_space<semaphore_mem>>) src(%dma_wait3A_146 : memref<10000x128xf32, #tpu.memory_space<hbm>>) dst(%arg10 : memref<128x128xf32, #tpu.memory_space<vmem>>)
      %sub3A = arith.constant 1 : i32
      %sub3A_147 = arith.subi %add3A_140, %sub3A : i32
      %dma_wait3A_148 = arith.constant 0 : i32
      %dma_wait3A_149 = tpu.memref_slice %arg8[%sub3A_147, %dma_wait3A_148] : memref<40x128xi32, #tpu.memory_space<vmem>> -> memref<1x128xi32, #tpu.memory_space<vmem>>
      %dma_wait3A_150 = tpu.memref_squeeze %dma_wait3A_149 : memref<1x128xi32, #tpu.memory_space<vmem>> -> memref<128xi32, #tpu.memory_space<vmem>>
      %dma_wait3A_151 = arith.constant 0 : i32
      %dma_wait3A_152 = arith.constant 0 : i32
      %dma_wait3A_153 = tpu.memref_slice %arg11[%dma_wait3A_151, %dma_wait3A_152] : memref<10496x128xf32, #tpu.memory_space<vmem_shared>> -> memref<10496x128xf32, #tpu.memory_space<vmem_shared>>
      tpu.wait_indirect_dma semaphore(%arg14 : memref<!tpu.dma_semaphore, #tpu.memory_space<semaphore_mem>>) src(%arg9 : memref<128x128xf32, #tpu.memory_space<vmem>>) dst(%dma_wait3A_153 : memref<10496x128xf32, #tpu.memory_space<vmem_shared>>)
      %dma_start3A_154 = arith.constant 0 : i32
      %dma_start3A_155 = tpu.memref_slice %arg8[%add3A_140, %dma_start3A_154] : memref<40x128xi32, #tpu.memory_space<vmem>> -> memref<1x128xi32, #tpu.memory_space<vmem>>
      %dma_start3A_156 = tpu.memref_squeeze %dma_start3A_155 : memref<1x128xi32, #tpu.memory_space<vmem>> -> memref<128xi32, #tpu.memory_space<vmem>>
      %dma_start3A_157 = arith.constant 0 : i32
      %dma_start3A_158 = arith.constant 0 : i32
      %dma_start3A_159 = tpu.memref_slice %arg11[%dma_start3A_157, %dma_start3A_158] : memref<10496x128xf32, #tpu.memory_space<vmem_shared>> -> memref<10496x128xf32, #tpu.memory_space<vmem_shared>>
      tpu.enqueue_indirect_dma source(%arg10 : memref<128x128xf32, #tpu.memory_space<vmem>>) target(%dma_start3A_159 : memref<10496x128xf32, #tpu.memory_space<vmem_shared>>) offsets(%dma_start3A_156 : memref<128xi32, #tpu.memory_space<vmem>>) semaphore(%arg15 : memref<!tpu.dma_semaphore, #tpu.memory_space<semaphore_mem>>) {add = true}
      %add3A_160 = arith.constant 1 : i32
      %add3A_161 = arith.addi %add3A_140, %add3A_160 : i32
      %dma_start3A_162 = arith.constant 0 : i32
      %dma_start3A_163 = tpu.memref_slice %arg7[%add3A_161, %dma_start3A_162] : memref<40x128xi32, #tpu.memory_space<vmem>> -> memref<1x128xi32, #tpu.memory_space<vmem>>
      %dma_start3A_164 = tpu.memref_squeeze %dma_start3A_163 : memref<1x128xi32, #tpu.memory_space<vmem>> -> memref<128xi32, #tpu.memory_space<vmem>>
      %dma_start3A_165 = arith.constant 0 : i32
      %dma_start3A_166 = arith.constant 0 : i32
      %dma_start3A_167 = tpu.memref_slice %arg2[%dma_start3A_165, %dma_start3A_166] : memref<10000x128xf32, #tpu.memory_space<hbm>> -> memref<10000x128xf32, #tpu.memory_space<hbm>>
      tpu.enqueue_indirect_dma source(%dma_start3A_167 : memref<10000x128xf32, #tpu.memory_space<hbm>>) target(%arg9 : memref<128x128xf32, #tpu.memory_space<vmem>>) offsets(%dma_start3A_164 : memref<128xi32, #tpu.memory_space<vmem>>) semaphore(%arg12 : memref<!tpu.dma_semaphore, #tpu.memory_space<semaphore_mem>>)
      %add3A_168 = arith.constant 1 : i32
      %add3A_169 = arith.addi %add3A_140, %add3A_168 : i32
      %dma_wait3A_170 = arith.constant 0 : i32
      %dma_wait3A_171 = tpu.memref_slice %arg7[%add3A_169, %dma_wait3A_170] : memref<40x128xi32, #tpu.memory_space<vmem>> -> memref<1x128xi32, #tpu.memory_space<vmem>>
      %dma_wait3A_172 = tpu.memref_squeeze %dma_wait3A_171 : memref<1x128xi32, #tpu.memory_space<vmem>> -> memref<128xi32, #tpu.memory_space<vmem>>
      %dma_wait3A_173 = arith.constant 0 : i32
      %dma_wait3A_174 = arith.constant 0 : i32
      %dma_wait3A_175 = tpu.memref_slice %arg2[%dma_wait3A_173, %dma_wait3A_174] : memref<10000x128xf32, #tpu.memory_space<hbm>> -> memref<10000x128xf32, #tpu.memory_space<hbm>>
      tpu.wait_indirect_dma semaphore(%arg12 : memref<!tpu.dma_semaphore, #tpu.memory_space<semaphore_mem>>) src(%dma_wait3A_175 : memref<10000x128xf32, #tpu.memory_space<hbm>>) dst(%arg9 : memref<128x128xf32, #tpu.memory_space<vmem>>)
      %dma_wait3A_176 = arith.constant 0 : i32
      %dma_wait3A_177 = tpu.memref_slice %arg8[%add3A_140, %dma_wait3A_176] : memref<40x128xi32, #tpu.memory_space<vmem>> -> memref<1x128xi32, #tpu.memory_space<vmem>>
      %dma_wait3A_178 = tpu.memref_squeeze %dma_wait3A_177 : memref<1x128xi32, #tpu.memory_space<vmem>> -> memref<128xi32, #tpu.memory_space<vmem>>
      %dma_wait3A_179 = arith.constant 0 : i32
      %dma_wait3A_180 = arith.constant 0 : i32
      %dma_wait3A_181 = tpu.memref_slice %arg11[%dma_wait3A_179, %dma_wait3A_180] : memref<10496x128xf32, #tpu.memory_space<vmem_shared>> -> memref<10496x128xf32, #tpu.memory_space<vmem_shared>>
      tpu.wait_indirect_dma semaphore(%arg15 : memref<!tpu.dma_semaphore, #tpu.memory_space<semaphore_mem>>) src(%arg10 : memref<128x128xf32, #tpu.memory_space<vmem>>) dst(%dma_wait3A_181 : memref<10496x128xf32, #tpu.memory_space<vmem_shared>>)
      %add3A_182 = arith.constant 1 : i32
      %add3A_183 = arith.addi %add3A_140, %add3A_182 : i32
      %dma_start3A_184 = arith.constant 0 : i32
      %dma_start3A_185 = tpu.memref_slice %arg8[%add3A_183, %dma_start3A_184] : memref<40x128xi32, #tpu.memory_space<vmem>> -> memref<1x128xi32, #tpu.memory_space<vmem>>
      %dma_start3A_186 = tpu.memref_squeeze %dma_start3A_185 : memref<1x128xi32, #tpu.memory_space<vmem>> -> memref<128xi32, #tpu.memory_space<vmem>>
      %dma_start3A_187 = arith.constant 0 : i32
      %dma_start3A_188 = arith.constant 0 : i32
      %dma_start3A_189 = tpu.memref_slice %arg11[%dma_start3A_187, %dma_start3A_188] : memref<10496x128xf32, #tpu.memory_space<vmem_shared>> -> memref<10496x128xf32, #tpu.memory_space<vmem_shared>>
      tpu.enqueue_indirect_dma source(%arg9 : memref<128x128xf32, #tpu.memory_space<vmem>>) target(%dma_start3A_189 : memref<10496x128xf32, #tpu.memory_space<vmem_shared>>) offsets(%dma_start3A_186 : memref<128xi32, #tpu.memory_space<vmem>>) semaphore(%arg14 : memref<!tpu.dma_semaphore, #tpu.memory_space<semaphore_mem>>) {add = true}
      %add3A_190 = arith.constant 2 : i32
      %add3A_191 = arith.addi %add3A_140, %add3A_190 : i32
      %dma_start3A_192 = arith.constant 0 : i32
      %dma_start3A_193 = tpu.memref_slice %arg7[%add3A_191, %dma_start3A_192] : memref<40x128xi32, #tpu.memory_space<vmem>> -> memref<1x128xi32, #tpu.memory_space<vmem>>
      %dma_start3A_194 = tpu.memref_squeeze %dma_start3A_193 : memref<1x128xi32, #tpu.memory_space<vmem>> -> memref<128xi32, #tpu.memory_space<vmem>>
      %dma_start3A_195 = arith.constant 0 : i32
      %dma_start3A_196 = arith.constant 0 : i32
      %dma_start3A_197 = tpu.memref_slice %arg2[%dma_start3A_195, %dma_start3A_196] : memref<10000x128xf32, #tpu.memory_space<hbm>> -> memref<10000x128xf32, #tpu.memory_space<hbm>>
      tpu.enqueue_indirect_dma source(%dma_start3A_197 : memref<10000x128xf32, #tpu.memory_space<hbm>>) target(%arg10 : memref<128x128xf32, #tpu.memory_space<vmem>>) offsets(%dma_start3A_194 : memref<128xi32, #tpu.memory_space<vmem>>) semaphore(%arg13 : memref<!tpu.dma_semaphore, #tpu.memory_space<semaphore_mem>>)
      %scan3A_198 = arith.constant 0 : i32
      scf.yield %scan3A_198 : i32
    }
    %scan3A_38 = arith.constant 19 : i32
    %dma_wait3A_39 = arith.constant 39 : i32
    %dma_wait3A_40 = arith.constant 0 : i32
    %dma_wait3A_41 = tpu.memref_slice %arg7[%dma_wait3A_39, %dma_wait3A_40] : memref<40x128xi32, #tpu.memory_space<vmem>> -> memref<1x128xi32, #tpu.memory_space<vmem>>
    %dma_wait3A_42 = tpu.memref_squeeze %dma_wait3A_41 : memref<1x128xi32, #tpu.memory_space<vmem>> -> memref<128xi32, #tpu.memory_space<vmem>>
    %dma_wait3A_43 = arith.constant 0 : i32
    %dma_wait3A_44 = arith.constant 0 : i32
    %dma_wait3A_45 = tpu.memref_slice %arg2[%dma_wait3A_43, %dma_wait3A_44] : memref<10000x128xf32, #tpu.memory_space<hbm>> -> memref<10000x128xf32, #tpu.memory_space<hbm>>
    tpu.wait_indirect_dma semaphore(%arg13 : memref<!tpu.dma_semaphore, #tpu.memory_space<semaphore_mem>>) src(%dma_wait3A_45 : memref<10000x128xf32, #tpu.memory_space<hbm>>) dst(%arg10 : memref<128x128xf32, #tpu.memory_space<vmem>>)
    %dma_wait3A_46 = arith.constant 38 : i32
    %dma_wait3A_47 = arith.constant 0 : i32
    %dma_wait3A_48 = tpu.memref_slice %arg8[%dma_wait3A_46, %dma_wait3A_47] : memref<40x128xi32, #tpu.memory_space<vmem>> -> memref<1x128xi32, #tpu.memory_space<vmem>>
    %dma_wait3A_49 = tpu.memref_squeeze %dma_wait3A_48 : memref<1x128xi32, #tpu.memory_space<vmem>> -> memref<128xi32, #tpu.memory_space<vmem>>
    %dma_wait3A_50 = arith.constant 0 : i32
    %dma_wait3A_51 = arith.constant 0 : i32
    %dma_wait3A_52 = tpu.memref_slice %arg11[%dma_wait3A_50, %dma_wait3A_51] : memref<10496x128xf32, #tpu.memory_space<vmem_shared>> -> memref<10496x128xf32, #tpu.memory_space<vmem_shared>>
    tpu.wait_indirect_dma semaphore(%arg14 : memref<!tpu.dma_semaphore, #tpu.memory_space<semaphore_mem>>) src(%arg9 : memref<128x128xf32, #tpu.memory_space<vmem>>) dst(%dma_wait3A_52 : memref<10496x128xf32, #tpu.memory_space<vmem_shared>>)
    %dma_start3A_53 = arith.constant 39 : i32
    %dma_start3A_54 = arith.constant 0 : i32
    %dma_start3A_55 = tpu.memref_slice %arg8[%dma_start3A_53, %dma_start3A_54] : memref<40x128xi32, #tpu.memory_space<vmem>> -> memref<1x128xi32, #tpu.memory_space<vmem>>
    %dma_start3A_56 = tpu.memref_squeeze %dma_start3A_55 : memref<1x128xi32, #tpu.memory_space<vmem>> -> memref<128xi32, #tpu.memory_space<vmem>>
    %dma_start3A_57 = arith.constant 0 : i32
    %dma_start3A_58 = arith.constant 0 : i32
    %dma_start3A_59 = tpu.memref_slice %arg11[%dma_start3A_57, %dma_start3A_58] : memref<10496x128xf32, #tpu.memory_space<vmem_shared>> -> memref<10496x128xf32, #tpu.memory_space<vmem_shared>>
    tpu.enqueue_indirect_dma source(%arg10 : memref<128x128xf32, #tpu.memory_space<vmem>>) target(%dma_start3A_59 : memref<10496x128xf32, #tpu.memory_space<vmem_shared>>) offsets(%dma_start3A_56 : memref<128xi32, #tpu.memory_space<vmem>>) semaphore(%arg15 : memref<!tpu.dma_semaphore, #tpu.memory_space<semaphore_mem>>) {add = true}
    %dma_wait3A_60 = arith.constant 39 : i32
    %dma_wait3A_61 = arith.constant 0 : i32
    %dma_wait3A_62 = tpu.memref_slice %arg8[%dma_wait3A_60, %dma_wait3A_61] : memref<40x128xi32, #tpu.memory_space<vmem>> -> memref<1x128xi32, #tpu.memory_space<vmem>>
    %dma_wait3A_63 = tpu.memref_squeeze %dma_wait3A_62 : memref<1x128xi32, #tpu.memory_space<vmem>> -> memref<128xi32, #tpu.memory_space<vmem>>
    %dma_wait3A_64 = arith.constant 0 : i32
    %dma_wait3A_65 = arith.constant 0 : i32
    %dma_wait3A_66 = tpu.memref_slice %arg11[%dma_wait3A_64, %dma_wait3A_65] : memref<10496x128xf32, #tpu.memory_space<vmem_shared>> -> memref<10496x128xf32, #tpu.memory_space<vmem_shared>>
    tpu.wait_indirect_dma semaphore(%arg15 : memref<!tpu.dma_semaphore, #tpu.memory_space<semaphore_mem>>) src(%arg10 : memref<128x128xf32, #tpu.memory_space<vmem>>) dst(%dma_wait3A_66 : memref<10496x128xf32, #tpu.memory_space<vmem_shared>>)
    %mul3A_67 = arith.constant 80 : i32
    %mul3A_68 = arith.muli %add3A, %mul3A_67 : i32
    %add3A_69 = arith.constant 40 : i32
    %add3A_70 = arith.addi %mul3A_68, %add3A_69 : i32
    "tpu.region"() ({
      %run_scoped3A = tpu.sem_alloc : memref<!tpu.dma_semaphore, #tpu.memory_space<semaphore_mem>>
      %dma_start3A_135 = arith.constant 0 : i32
      %dma_start3A_136 = tpu.memref_slice %arg3[%add3A_70, %dma_start3A_135] : memref<2560x128xi32, #tpu.memory_space<hbm>> -> memref<40x128xi32, #tpu.memory_space<hbm>>
      %dma_start3A_137 = arith.constant 0 : i32
      %dma_start3A_138 = tpu.memref_slice %arg3[%add3A_70, %dma_start3A_137] : memref<2560x128xi32, #tpu.memory_space<hbm>> -> memref<40x128xi32, #tpu.memory_space<hbm>>
      tpu.enqueue_dma source(%dma_start3A_138 : memref<40x128xi32, #tpu.memory_space<hbm>>) target(%arg7 : memref<40x128xi32, #tpu.memory_space<vmem>>) target_semaphore(%run_scoped3A : memref<!tpu.dma_semaphore, #tpu.memory_space<semaphore_mem>>)
      %dma_wait3A_139 = arith.constant 0 : i32
      %dma_wait3A_140 = tpu.memref_slice %arg3[%add3A_70, %dma_wait3A_139] : memref<2560x128xi32, #tpu.memory_space<hbm>> -> memref<40x128xi32, #tpu.memory_space<hbm>>
      %dma_wait3A_141 = arith.constant 0 : i32
      %dma_wait3A_142 = tpu.memref_slice %arg3[%add3A_70, %dma_wait3A_141] : memref<2560x128xi32, #tpu.memory_space<hbm>> -> memref<40x128xi32, #tpu.memory_space<hbm>>
      tpu.wait_dma2 semaphore(%run_scoped3A : memref<!tpu.dma_semaphore, #tpu.memory_space<semaphore_mem>>) src(%dma_wait3A_142 : memref<40x128xi32, #tpu.memory_space<hbm>>) dst(%arg7 : memref<40x128xi32, #tpu.memory_space<vmem>>)
      tpu.yield
    }) : () -> ()
    "tpu.region"() ({
      %run_scoped3A = tpu.sem_alloc : memref<!tpu.dma_semaphore, #tpu.memory_space<semaphore_mem>>
      %dma_start3A_135 = arith.constant 0 : i32
      %dma_start3A_136 = tpu.memref_slice %arg4[%add3A_70, %dma_start3A_135] : memref<2560x128xi32, #tpu.memory_space<hbm>> -> memref<40x128xi32, #tpu.memory_space<hbm>>
      %dma_start3A_137 = arith.constant 0 : i32
      %dma_start3A_138 = tpu.memref_slice %arg4[%add3A_70, %dma_start3A_137] : memref<2560x128xi32, #tpu.memory_space<hbm>> -> memref<40x128xi32, #tpu.memory_space<hbm>>
      tpu.enqueue_dma source(%dma_start3A_138 : memref<40x128xi32, #tpu.memory_space<hbm>>) target(%arg8 : memref<40x128xi32, #tpu.memory_space<vmem>>) target_semaphore(%run_scoped3A : memref<!tpu.dma_semaphore, #tpu.memory_space<semaphore_mem>>)
      %dma_wait3A_139 = arith.constant 0 : i32
      %dma_wait3A_140 = tpu.memref_slice %arg4[%add3A_70, %dma_wait3A_139] : memref<2560x128xi32, #tpu.memory_space<hbm>> -> memref<40x128xi32, #tpu.memory_space<hbm>>
      %dma_wait3A_141 = arith.constant 0 : i32
      %dma_wait3A_142 = tpu.memref_slice %arg4[%add3A_70, %dma_wait3A_141] : memref<2560x128xi32, #tpu.memory_space<hbm>> -> memref<40x128xi32, #tpu.memory_space<hbm>>
      tpu.wait_dma2 semaphore(%run_scoped3A : memref<!tpu.dma_semaphore, #tpu.memory_space<semaphore_mem>>) src(%dma_wait3A_142 : memref<40x128xi32, #tpu.memory_space<hbm>>) dst(%arg8 : memref<40x128xi32, #tpu.memory_space<vmem>>)
      tpu.yield
    }) : () -> ()
    %dma_start3A_71 = arith.constant 0 : i32
    %dma_start3A_72 = arith.constant 0 : i32
    %dma_start3A_73 = tpu.memref_slice %arg7[%dma_start3A_71, %dma_start3A_72] : memref<40x128xi32, #tpu.memory_space<vmem>> -> memref<1x128xi32, #tpu.memory_space<vmem>>
    %dma_start3A_74 = tpu.memref_squeeze %dma_start3A_73 : memref<1x128xi32, #tpu.memory_space<vmem>> -> memref<128xi32, #tpu.memory_space<vmem>>
    %dma_start3A_75 = arith.constant 0 : i32
    %dma_start3A_76 = arith.constant 0 : i32
    %dma_start3A_77 = tpu.memref_slice %arg2[%dma_start3A_75, %dma_start3A_76] : memref<10000x128xf32, #tpu.memory_space<hbm>> -> memref<10000x128xf32, #tpu.memory_space<hbm>>
    tpu.enqueue_indirect_dma source(%dma_start3A_77 : memref<10000x128xf32, #tpu.memory_space<hbm>>) target(%arg9 : memref<128x128xf32, #tpu.memory_space<vmem>>) offsets(%dma_start3A_74 : memref<128xi32, #tpu.memory_space<vmem>>) semaphore(%arg12 : memref<!tpu.dma_semaphore, #tpu.memory_space<semaphore_mem>>)
    %dma_wait3A_78 = arith.constant 0 : i32
    %dma_wait3A_79 = arith.constant 0 : i32
    %dma_wait3A_80 = tpu.memref_slice %arg7[%dma_wait3A_78, %dma_wait3A_79] : memref<40x128xi32, #tpu.memory_space<vmem>> -> memref<1x128xi32, #tpu.memory_space<vmem>>
    %dma_wait3A_81 = tpu.memref_squeeze %dma_wait3A_80 : memref<1x128xi32, #tpu.memory_space<vmem>> -> memref<128xi32, #tpu.memory_space<vmem>>
    %dma_wait3A_82 = arith.constant 0 : i32
    %dma_wait3A_83 = arith.constant 0 : i32
    %dma_wait3A_84 = tpu.memref_slice %arg2[%dma_wait3A_82, %dma_wait3A_83] : memref<10000x128xf32, #tpu.memory_space<hbm>> -> memref<10000x128xf32, #tpu.memory_space<hbm>>
    tpu.wait_indirect_dma semaphore(%arg12 : memref<!tpu.dma_semaphore, #tpu.memory_space<semaphore_mem>>) src(%dma_wait3A_84 : memref<10000x128xf32, #tpu.memory_space<hbm>>) dst(%arg9 : memref<128x128xf32, #tpu.memory_space<vmem>>)
    %dma_start3A_85 = arith.constant 0 : i32
    %dma_start3A_86 = arith.constant 0 : i32
    %dma_start3A_87 = tpu.memref_slice %arg8[%dma_start3A_85, %dma_start3A_86] : memref<40x128xi32, #tpu.memory_space<vmem>> -> memref<1x128xi32, #tpu.memory_space<vmem>>
    %dma_start3A_88 = tpu.memref_squeeze %dma_start3A_87 : memref<1x128xi32, #tpu.memory_space<vmem>> -> memref<128xi32, #tpu.memory_space<vmem>>
    %dma_start3A_89 = arith.constant 0 : i32
    %dma_start3A_90 = arith.constant 0 : i32
    %dma_start3A_91 = tpu.memref_slice %arg11[%dma_start3A_89, %dma_start3A_90] : memref<10496x128xf32, #tpu.memory_space<vmem_shared>> -> memref<10496x128xf32, #tpu.memory_space<vmem_shared>>
    tpu.enqueue_indirect_dma source(%arg9 : memref<128x128xf32, #tpu.memory_space<vmem>>) target(%dma_start3A_91 : memref<10496x128xf32, #tpu.memory_space<vmem_shared>>) offsets(%dma_start3A_88 : memref<128xi32, #tpu.memory_space<vmem>>) semaphore(%arg14 : memref<!tpu.dma_semaphore, #tpu.memory_space<semaphore_mem>>) {add = true}
    %dma_start3A_92 = arith.constant 1 : i32
    %dma_start3A_93 = arith.constant 0 : i32
    %dma_start3A_94 = tpu.memref_slice %arg7[%dma_start3A_92, %dma_start3A_93] : memref<40x128xi32, #tpu.memory_space<vmem>> -> memref<1x128xi32, #tpu.memory_space<vmem>>
    %dma_start3A_95 = tpu.memref_squeeze %dma_start3A_94 : memref<1x128xi32, #tpu.memory_space<vmem>> -> memref<128xi32, #tpu.memory_space<vmem>>
    %dma_start3A_96 = arith.constant 0 : i32
    %dma_start3A_97 = arith.constant 0 : i32
    %dma_start3A_98 = tpu.memref_slice %arg2[%dma_start3A_96, %dma_start3A_97] : memref<10000x128xf32, #tpu.memory_space<hbm>> -> memref<10000x128xf32, #tpu.memory_space<hbm>>
    tpu.enqueue_indirect_dma source(%dma_start3A_98 : memref<10000x128xf32, #tpu.memory_space<hbm>>) target(%arg10 : memref<128x128xf32, #tpu.memory_space<vmem>>) offsets(%dma_start3A_95 : memref<128xi32, #tpu.memory_space<vmem>>) semaphore(%arg13 : memref<!tpu.dma_semaphore, #tpu.memory_space<semaphore_mem>>)
    %scan3A_99 = arith.constant 0 : i32
    %scan3A_100 = arith.constant 0 : i32
    %scan3A_101 = arith.constant 19 : i32
    %scan3A_102 = arith.addi %scan3A_100, %scan3A_101 : i32
    %scan3A_103 = arith.constant 1 : i32
    %scan3A_104 = scf.for %scan3A_135 = %scan3A_100 to %scan3A_102 step %scan3A_103 iter_args(%scan3A_136 = %scan3A_99) -> (i32)  : i32 {
      %mul3A_137 = arith.constant 2 : i32
      %mul3A_138 = arith.muli %mul3A_137, %scan3A_135 : i32
      %add3A_139 = arith.constant 1 : i32
      %add3A_140 = arith.addi %mul3A_138, %add3A_139 : i32
      %dma_wait3A_141 = arith.constant 0 : i32
      %dma_wait3A_142 = tpu.memref_slice %arg7[%add3A_140, %dma_wait3A_141] : memref<40x128xi32, #tpu.memory_space<vmem>> -> memref<1x128xi32, #tpu.memory_space<vmem>>
      %dma_wait3A_143 = tpu.memref_squeeze %dma_wait3A_142 : memref<1x128xi32, #tpu.memory_space<vmem>> -> memref<128xi32, #tpu.memory_space<vmem>>
      %dma_wait3A_144 = arith.constant 0 : i32
      %dma_wait3A_145 = arith.constant 0 : i32
      %dma_wait3A_146 = tpu.memref_slice %arg2[%dma_wait3A_144, %dma_wait3A_145] : memref<10000x128xf32, #tpu.memory_space<hbm>> -> memref<10000x128xf32, #tpu.memory_space<hbm>>
      tpu.wait_indirect_dma semaphore(%arg13 : memref<!tpu.dma_semaphore, #tpu.memory_space<semaphore_mem>>) src(%dma_wait3A_146 : memref<10000x128xf32, #tpu.memory_space<hbm>>) dst(%arg10 : memref<128x128xf32, #tpu.memory_space<vmem>>)
      %sub3A = arith.constant 1 : i32
      %sub3A_147 = arith.subi %add3A_140, %sub3A : i32
      %dma_wait3A_148 = arith.constant 0 : i32
      %dma_wait3A_149 = tpu.memref_slice %arg8[%sub3A_147, %dma_wait3A_148] : memref<40x128xi32, #tpu.memory_space<vmem>> -> memref<1x128xi32, #tpu.memory_space<vmem>>
      %dma_wait3A_150 = tpu.memref_squeeze %dma_wait3A_149 : memref<1x128xi32, #tpu.memory_space<vmem>> -> memref<128xi32, #tpu.memory_space<vmem>>
      %dma_wait3A_151 = arith.constant 0 : i32
      %dma_wait3A_152 = arith.constant 0 : i32
      %dma_wait3A_153 = tpu.memref_slice %arg11[%dma_wait3A_151, %dma_wait3A_152] : memref<10496x128xf32, #tpu.memory_space<vmem_shared>> -> memref<10496x128xf32, #tpu.memory_space<vmem_shared>>
      tpu.wait_indirect_dma semaphore(%arg14 : memref<!tpu.dma_semaphore, #tpu.memory_space<semaphore_mem>>) src(%arg9 : memref<128x128xf32, #tpu.memory_space<vmem>>) dst(%dma_wait3A_153 : memref<10496x128xf32, #tpu.memory_space<vmem_shared>>)
      %dma_start3A_154 = arith.constant 0 : i32
      %dma_start3A_155 = tpu.memref_slice %arg8[%add3A_140, %dma_start3A_154] : memref<40x128xi32, #tpu.memory_space<vmem>> -> memref<1x128xi32, #tpu.memory_space<vmem>>
      %dma_start3A_156 = tpu.memref_squeeze %dma_start3A_155 : memref<1x128xi32, #tpu.memory_space<vmem>> -> memref<128xi32, #tpu.memory_space<vmem>>
      %dma_start3A_157 = arith.constant 0 : i32
      %dma_start3A_158 = arith.constant 0 : i32
      %dma_start3A_159 = tpu.memref_slice %arg11[%dma_start3A_157, %dma_start3A_158] : memref<10496x128xf32, #tpu.memory_space<vmem_shared>> -> memref<10496x128xf32, #tpu.memory_space<vmem_shared>>
      tpu.enqueue_indirect_dma source(%arg10 : memref<128x128xf32, #tpu.memory_space<vmem>>) target(%dma_start3A_159 : memref<10496x128xf32, #tpu.memory_space<vmem_shared>>) offsets(%dma_start3A_156 : memref<128xi32, #tpu.memory_space<vmem>>) semaphore(%arg15 : memref<!tpu.dma_semaphore, #tpu.memory_space<semaphore_mem>>) {add = true}
      %add3A_160 = arith.constant 1 : i32
      %add3A_161 = arith.addi %add3A_140, %add3A_160 : i32
      %dma_start3A_162 = arith.constant 0 : i32
      %dma_start3A_163 = tpu.memref_slice %arg7[%add3A_161, %dma_start3A_162] : memref<40x128xi32, #tpu.memory_space<vmem>> -> memref<1x128xi32, #tpu.memory_space<vmem>>
      %dma_start3A_164 = tpu.memref_squeeze %dma_start3A_163 : memref<1x128xi32, #tpu.memory_space<vmem>> -> memref<128xi32, #tpu.memory_space<vmem>>
      %dma_start3A_165 = arith.constant 0 : i32
      %dma_start3A_166 = arith.constant 0 : i32
      %dma_start3A_167 = tpu.memref_slice %arg2[%dma_start3A_165, %dma_start3A_166] : memref<10000x128xf32, #tpu.memory_space<hbm>> -> memref<10000x128xf32, #tpu.memory_space<hbm>>
      tpu.enqueue_indirect_dma source(%dma_start3A_167 : memref<10000x128xf32, #tpu.memory_space<hbm>>) target(%arg9 : memref<128x128xf32, #tpu.memory_space<vmem>>) offsets(%dma_start3A_164 : memref<128xi32, #tpu.memory_space<vmem>>) semaphore(%arg12 : memref<!tpu.dma_semaphore, #tpu.memory_space<semaphore_mem>>)
      %add3A_168 = arith.constant 1 : i32
      %add3A_169 = arith.addi %add3A_140, %add3A_168 : i32
      %dma_wait3A_170 = arith.constant 0 : i32
      %dma_wait3A_171 = tpu.memref_slice %arg7[%add3A_169, %dma_wait3A_170] : memref<40x128xi32, #tpu.memory_space<vmem>> -> memref<1x128xi32, #tpu.memory_space<vmem>>
      %dma_wait3A_172 = tpu.memref_squeeze %dma_wait3A_171 : memref<1x128xi32, #tpu.memory_space<vmem>> -> memref<128xi32, #tpu.memory_space<vmem>>
      %dma_wait3A_173 = arith.constant 0 : i32
      %dma_wait3A_174 = arith.constant 0 : i32
      %dma_wait3A_175 = tpu.memref_slice %arg2[%dma_wait3A_173, %dma_wait3A_174] : memref<10000x128xf32, #tpu.memory_space<hbm>> -> memref<10000x128xf32, #tpu.memory_space<hbm>>
      tpu.wait_indirect_dma semaphore(%arg12 : memref<!tpu.dma_semaphore, #tpu.memory_space<semaphore_mem>>) src(%dma_wait3A_175 : memref<10000x128xf32, #tpu.memory_space<hbm>>) dst(%arg9 : memref<128x128xf32, #tpu.memory_space<vmem>>)
      %dma_wait3A_176 = arith.constant 0 : i32
      %dma_wait3A_177 = tpu.memref_slice %arg8[%add3A_140, %dma_wait3A_176] : memref<40x128xi32, #tpu.memory_space<vmem>> -> memref<1x128xi32, #tpu.memory_space<vmem>>
      %dma_wait3A_178 = tpu.memref_squeeze %dma_wait3A_177 : memref<1x128xi32, #tpu.memory_space<vmem>> -> memref<128xi32, #tpu.memory_space<vmem>>
      %dma_wait3A_179 = arith.constant 0 : i32
      %dma_wait3A_180 = arith.constant 0 : i32
      %dma_wait3A_181 = tpu.memref_slice %arg11[%dma_wait3A_179, %dma_wait3A_180] : memref<10496x128xf32, #tpu.memory_space<vmem_shared>> -> memref<10496x128xf32, #tpu.memory_space<vmem_shared>>
      tpu.wait_indirect_dma semaphore(%arg15 : memref<!tpu.dma_semaphore, #tpu.memory_space<semaphore_mem>>) src(%arg10 : memref<128x128xf32, #tpu.memory_space<vmem>>) dst(%dma_wait3A_181 : memref<10496x128xf32, #tpu.memory_space<vmem_shared>>)
      %add3A_182 = arith.constant 1 : i32
      %add3A_183 = arith.addi %add3A_140, %add3A_182 : i32
      %dma_start3A_184 = arith.constant 0 : i32
      %dma_start3A_185 = tpu.memref_slice %arg8[%add3A_183, %dma_start3A_184] : memref<40x128xi32, #tpu.memory_space<vmem>> -> memref<1x128xi32, #tpu.memory_space<vmem>>
      %dma_start3A_186 = tpu.memref_squeeze %dma_start3A_185 : memref<1x128xi32, #tpu.memory_space<vmem>> -> memref<128xi32, #tpu.memory_space<vmem>>
      %dma_start3A_187 = arith.constant 0 : i32
      %dma_start3A_188 = arith.constant 0 : i32
      %dma_start3A_189 = tpu.memref_slice %arg11[%dma_start3A_187, %dma_start3A_188] : memref<10496x128xf32, #tpu.memory_space<vmem_shared>> -> memref<10496x128xf32, #tpu.memory_space<vmem_shared>>
      tpu.enqueue_indirect_dma source(%arg9 : memref<128x128xf32, #tpu.memory_space<vmem>>) target(%dma_start3A_189 : memref<10496x128xf32, #tpu.memory_space<vmem_shared>>) offsets(%dma_start3A_186 : memref<128xi32, #tpu.memory_space<vmem>>) semaphore(%arg14 : memref<!tpu.dma_semaphore, #tpu.memory_space<semaphore_mem>>) {add = true}
      %add3A_190 = arith.constant 2 : i32
      %add3A_191 = arith.addi %add3A_140, %add3A_190 : i32
      %dma_start3A_192 = arith.constant 0 : i32
      %dma_start3A_193 = tpu.memref_slice %arg7[%add3A_191, %dma_start3A_192] : memref<40x128xi32, #tpu.memory_space<vmem>> -> memref<1x128xi32, #tpu.memory_space<vmem>>
      %dma_start3A_194 = tpu.memref_squeeze %dma_start3A_193 : memref<1x128xi32, #tpu.memory_space<vmem>> -> memref<128xi32, #tpu.memory_space<vmem>>
      %dma_start3A_195 = arith.constant 0 : i32
      %dma_start3A_196 = arith.constant 0 : i32
      %dma_start3A_197 = tpu.memref_slice %arg2[%dma_start3A_195, %dma_start3A_196] : memref<10000x128xf32, #tpu.memory_space<hbm>> -> memref<10000x128xf32, #tpu.memory_space<hbm>>
      tpu.enqueue_indirect_dma source(%dma_start3A_197 : memref<10000x128xf32, #tpu.memory_space<hbm>>) target(%arg10 : memref<128x128xf32, #tpu.memory_space<vmem>>) offsets(%dma_start3A_194 : memref<128xi32, #tpu.memory_space<vmem>>) semaphore(%arg13 : memref<!tpu.dma_semaphore, #tpu.memory_space<semaphore_mem>>)
      %scan3A_198 = arith.constant 0 : i32
      scf.yield %scan3A_198 : i32
    }
    %scan3A_105 = arith.constant 19 : i32
    %dma_wait3A_106 = arith.constant 39 : i32
    %dma_wait3A_107 = arith.constant 0 : i32
    %dma_wait3A_108 = tpu.memref_slice %arg7[%dma_wait3A_106, %dma_wait3A_107] : memref<40x128xi32, #tpu.memory_space<vmem>> -> memref<1x128xi32, #tpu.memory_space<vmem>>
    %dma_wait3A_109 = tpu.memref_squeeze %dma_wait3A_108 : memref<1x128xi32, #tpu.memory_space<vmem>> -> memref<128xi32, #tpu.memory_space<vmem>>
    %dma_wait3A_110 = arith.constant 0 : i32
    %dma_wait3A_111 = arith.constant 0 : i32
    %dma_wait3A_112 = tpu.memref_slice %arg2[%dma_wait3A_110, %dma_wait3A_111] : memref<10000x128xf32, #tpu.memory_space<hbm>> -> memref<10000x128xf32, #tpu.memory_space<hbm>>
    tpu.wait_indirect_dma semaphore(%arg13 : memref<!tpu.dma_semaphore, #tpu.memory_space<semaphore_mem>>) src(%dma_wait3A_112 : memref<10000x128xf32, #tpu.memory_space<hbm>>) dst(%arg10 : memref<128x128xf32, #tpu.memory_space<vmem>>)
    %dma_wait3A_113 = arith.constant 38 : i32
    %dma_wait3A_114 = arith.constant 0 : i32
    %dma_wait3A_115 = tpu.memref_slice %arg8[%dma_wait3A_113, %dma_wait3A_114] : memref<40x128xi32, #tpu.memory_space<vmem>> -> memref<1x128xi32, #tpu.memory_space<vmem>>
    %dma_wait3A_116 = tpu.memref_squeeze %dma_wait3A_115 : memref<1x128xi32, #tpu.memory_space<vmem>> -> memref<128xi32, #tpu.memory_space<vmem>>
    %dma_wait3A_117 = arith.constant 0 : i32
    %dma_wait3A_118 = arith.constant 0 : i32
    %dma_wait3A_119 = tpu.memref_slice %arg11[%dma_wait3A_117, %dma_wait3A_118] : memref<10496x128xf32, #tpu.memory_space<vmem_shared>> -> memref<10496x128xf32, #tpu.memory_space<vmem_shared>>
    tpu.wait_indirect_dma semaphore(%arg14 : memref<!tpu.dma_semaphore, #tpu.memory_space<semaphore_mem>>) src(%arg9 : memref<128x128xf32, #tpu.memory_space<vmem>>) dst(%dma_wait3A_119 : memref<10496x128xf32, #tpu.memory_space<vmem_shared>>)
    %dma_start3A_120 = arith.constant 39 : i32
    %dma_start3A_121 = arith.constant 0 : i32
    %dma_start3A_122 = tpu.memref_slice %arg8[%dma_start3A_120, %dma_start3A_121] : memref<40x128xi32, #tpu.memory_space<vmem>> -> memref<1x128xi32, #tpu.memory_space<vmem>>
    %dma_start3A_123 = tpu.memref_squeeze %dma_start3A_122 : memref<1x128xi32, #tpu.memory_space<vmem>> -> memref<128xi32, #tpu.memory_space<vmem>>
    %dma_start3A_124 = arith.constant 0 : i32
    %dma_start3A_125 = arith.constant 0 : i32
    %dma_start3A_126 = tpu.memref_slice %arg11[%dma_start3A_124, %dma_start3A_125] : memref<10496x128xf32, #tpu.memory_space<vmem_shared>> -> memref<10496x128xf32, #tpu.memory_space<vmem_shared>>
    tpu.enqueue_indirect_dma source(%arg10 : memref<128x128xf32, #tpu.memory_space<vmem>>) target(%dma_start3A_126 : memref<10496x128xf32, #tpu.memory_space<vmem_shared>>) offsets(%dma_start3A_123 : memref<128xi32, #tpu.memory_space<vmem>>) semaphore(%arg15 : memref<!tpu.dma_semaphore, #tpu.memory_space<semaphore_mem>>) {add = true}
    %dma_wait3A_127 = arith.constant 39 : i32
    %dma_wait3A_128 = arith.constant 0 : i32
    %dma_wait3A_129 = tpu.memref_slice %arg8[%dma_wait3A_127, %dma_wait3A_128] : memref<40x128xi32, #tpu.memory_space<vmem>> -> memref<1x128xi32, #tpu.memory_space<vmem>>
    %dma_wait3A_130 = tpu.memref_squeeze %dma_wait3A_129 : memref<1x128xi32, #tpu.memory_space<vmem>> -> memref<128xi32, #tpu.memory_space<vmem>>
    %dma_wait3A_131 = arith.constant 0 : i32
    %dma_wait3A_132 = arith.constant 0 : i32
    %dma_wait3A_133 = tpu.memref_slice %arg11[%dma_wait3A_131, %dma_wait3A_132] : memref<10496x128xf32, #tpu.memory_space<vmem_shared>> -> memref<10496x128xf32, #tpu.memory_space<vmem_shared>>
    tpu.wait_indirect_dma semaphore(%arg15 : memref<!tpu.dma_semaphore, #tpu.memory_space<semaphore_mem>>) src(%arg10 : memref<128x128xf32, #tpu.memory_space<vmem>>) dst(%dma_wait3A_133 : memref<10496x128xf32, #tpu.memory_space<vmem_shared>>)
    %barrier3A_134 = arith.constant 0 : index
    tpu.barrier barrier_id(%barrier3A_134)
    "tpu.region"() ({
      %run_scoped3A = tpu.sem_alloc : memref<!tpu.dma_semaphore, #tpu.memory_space<semaphore_mem>>
      %dma_start3A_135 = arith.constant 0 : i32
      %dma_start3A_136 = tpu.memref_slice %arg6[%arg0, %mul3A_2, %dma_start3A_135] : memref<2x10496x128xf32, #tpu.memory_space<hbm>> -> memref<1x656x128xf32, #tpu.memory_space<hbm>>
      %dma_start3A_137 = tpu.memref_squeeze %dma_start3A_136 : memref<1x656x128xf32, #tpu.memory_space<hbm>> -> memref<656x128xf32, #tpu.memory_space<hbm>>
      %dma_start3A_138 = arith.constant 0 : i32
      %dma_start3A_139 = tpu.memref_slice %arg11[%mul3A_2, %dma_start3A_138] : memref<10496x128xf32, #tpu.memory_space<vmem_shared>> -> memref<656x128xf32, #tpu.memory_space<vmem_shared>>
      tpu.enqueue_dma source(%dma_start3A_139 : memref<656x128xf32, #tpu.memory_space<vmem_shared>>) target(%dma_start3A_137 : memref<656x128xf32, #tpu.memory_space<hbm>>) target_semaphore(%run_scoped3A : memref<!tpu.dma_semaphore, #tpu.memory_space<semaphore_mem>>)
      %dma_wait3A_140 = arith.constant 0 : i32
      %dma_wait3A_141 = tpu.memref_slice %arg6[%arg0, %mul3A_2, %dma_wait3A_140] : memref<2x10496x128xf32, #tpu.memory_space<hbm>> -> memref<1x656x128xf32, #tpu.memory_space<hbm>>
      %dma_wait3A_142 = tpu.memref_squeeze %dma_wait3A_141 : memref<1x656x128xf32, #tpu.memory_space<hbm>> -> memref<656x128xf32, #tpu.memory_space<hbm>>
      %dma_wait3A_143 = arith.constant 0 : i32
      %dma_wait3A_144 = tpu.memref_slice %arg11[%mul3A_2, %dma_wait3A_143] : memref<10496x128xf32, #tpu.memory_space<vmem_shared>> -> memref<656x128xf32, #tpu.memory_space<vmem_shared>>
      tpu.wait_dma2 semaphore(%run_scoped3A : memref<!tpu.dma_semaphore, #tpu.memory_space<semaphore_mem>>) src(%dma_wait3A_144 : memref<656x128xf32, #tpu.memory_space<vmem_shared>>) dst(%dma_wait3A_142 : memref<656x128xf32, #tpu.memory_space<hbm>>)
      tpu.yield
    }) : () -> ()
    return
  }
}

#map = affine_map<(d0, d1) -> (0, 0)>
#map1 = affine_map<(d0, d1) -> (0, 0, 0)>
module attributes {stable_mosaic.version = 14 : i64} {
  func.func @_cnt(%arg0: i32, %arg1: i32, %arg2: memref<2560x128xi32, #tpu.memory_space<hbm>>, %arg3: memref<128x128xf32, #tpu.memory_space<hbm>>, %arg4: memref<656x128xf32, #tpu.memory_space<hbm>>, %arg5: memref<2x10496x128xf32, #tpu.memory_space<hbm>>, %arg6: memref<80x128xi32, #tpu.memory_space<vmem>>, %arg7: memref<128x128xf32, #tpu.memory_space<vmem>>, %arg8: memref<10496x128xf32, #tpu.memory_space<vmem_shared>>) attributes {dimension_semantics = [#tpu.dimension_semantics<core_parallel>, #tpu.dimension_semantics<subcore_parallel>], iteration_bounds = array<i64: 2, 16>, scalar_prefetch = 0 : i64, scratch_operands = 3 : i64, tpu.core_type = #tpu.core_type<sc_vector_subcore>, window_params = [{transform_indices = #map}, {transform_indices = #map}, {transform_indices = #map}, {transform_indices = #map1}]} {
    %mul3A = arith.constant 2 : i32
    %mul3A_0 = arith.muli %arg1, %mul3A : i32
    %add3A = arith.addi %mul3A_0, %arg0 : i32
    "tpu.region"() ({
      %run_scoped3A = tpu.sem_alloc : memref<!tpu.dma_semaphore, #tpu.memory_space<semaphore_mem>>
      tpu.enqueue_dma source(%arg3 : memref<128x128xf32, #tpu.memory_space<hbm>>) target(%arg7 : memref<128x128xf32, #tpu.memory_space<vmem>>) target_semaphore(%run_scoped3A : memref<!tpu.dma_semaphore, #tpu.memory_space<semaphore_mem>>)
      tpu.wait_dma2 semaphore(%run_scoped3A : memref<!tpu.dma_semaphore, #tpu.memory_space<semaphore_mem>>) src(%arg3 : memref<128x128xf32, #tpu.memory_space<hbm>>) dst(%arg7 : memref<128x128xf32, #tpu.memory_space<vmem>>)
      tpu.yield
    }) : () -> ()
    %mul3A_1 = arith.constant 656 : i32
    %mul3A_2 = arith.muli %arg1, %mul3A_1 : i32
    "tpu.region"() ({
      %run_scoped3A = tpu.sem_alloc : memref<!tpu.dma_semaphore, #tpu.memory_space<semaphore_mem>>
      %dma_start3A = arith.constant 0 : i32
      %dma_start3A_12 = tpu.memref_slice %arg8[%mul3A_2, %dma_start3A] : memref<10496x128xf32, #tpu.memory_space<vmem_shared>> -> memref<656x128xf32, #tpu.memory_space<vmem_shared>>
      tpu.enqueue_dma source(%arg4 : memref<656x128xf32, #tpu.memory_space<hbm>>) target(%dma_start3A_12 : memref<656x128xf32, #tpu.memory_space<vmem_shared>>) target_semaphore(%run_scoped3A : memref<!tpu.dma_semaphore, #tpu.memory_space<semaphore_mem>>)
      %dma_wait3A = arith.constant 0 : i32
      %dma_wait3A_13 = tpu.memref_slice %arg8[%mul3A_2, %dma_wait3A] : memref<10496x128xf32, #tpu.memory_space<vmem_shared>> -> memref<656x128xf32, #tpu.memory_space<vmem_shared>>
      tpu.wait_dma2 semaphore(%run_scoped3A : memref<!tpu.dma_semaphore, #tpu.memory_space<semaphore_mem>>) src(%arg4 : memref<656x128xf32, #tpu.memory_space<hbm>>) dst(%dma_wait3A_13 : memref<656x128xf32, #tpu.memory_space<vmem_shared>>)
      tpu.yield
    }) : () -> ()
    %mul3A_3 = arith.constant 80 : i32
    %mul3A_4 = arith.muli %add3A, %mul3A_3 : i32
    "tpu.region"() ({
      %run_scoped3A = tpu.sem_alloc : memref<!tpu.dma_semaphore, #tpu.memory_space<semaphore_mem>>
      %dma_start3A = arith.constant 0 : i32
      %dma_start3A_12 = tpu.memref_slice %arg2[%mul3A_4, %dma_start3A] : memref<2560x128xi32, #tpu.memory_space<hbm>> -> memref<80x128xi32, #tpu.memory_space<hbm>>
      %dma_start3A_13 = arith.constant 0 : i32
      %dma_start3A_14 = tpu.memref_slice %arg2[%mul3A_4, %dma_start3A_13] : memref<2560x128xi32, #tpu.memory_space<hbm>> -> memref<80x128xi32, #tpu.memory_space<hbm>>
      tpu.enqueue_dma source(%dma_start3A_14 : memref<80x128xi32, #tpu.memory_space<hbm>>) target(%arg6 : memref<80x128xi32, #tpu.memory_space<vmem>>) target_semaphore(%run_scoped3A : memref<!tpu.dma_semaphore, #tpu.memory_space<semaphore_mem>>)
      %dma_wait3A = arith.constant 0 : i32
      %dma_wait3A_15 = tpu.memref_slice %arg2[%mul3A_4, %dma_wait3A] : memref<2560x128xi32, #tpu.memory_space<hbm>> -> memref<80x128xi32, #tpu.memory_space<hbm>>
      %dma_wait3A_16 = arith.constant 0 : i32
      %dma_wait3A_17 = tpu.memref_slice %arg2[%mul3A_4, %dma_wait3A_16] : memref<2560x128xi32, #tpu.memory_space<hbm>> -> memref<80x128xi32, #tpu.memory_space<hbm>>
      tpu.wait_dma2 semaphore(%run_scoped3A : memref<!tpu.dma_semaphore, #tpu.memory_space<semaphore_mem>>) src(%dma_wait3A_17 : memref<80x128xi32, #tpu.memory_space<hbm>>) dst(%arg6 : memref<80x128xi32, #tpu.memory_space<vmem>>)
      tpu.yield
    }) : () -> ()
    %barrier3A = arith.constant 0 : index
    tpu.barrier barrier_id(%barrier3A)
    %scan3A = arith.constant 0 : i32
    %scan3A_5 = arith.constant 0 : i32
    %scan3A_6 = arith.constant 80 : i32
    %scan3A_7 = arith.addi %scan3A_5, %scan3A_6 : i32
    %scan3A_8 = arith.constant 1 : i32
    %scan3A_9 = scf.for %scan3A_12 = %scan3A_5 to %scan3A_7 step %scan3A_8 iter_args(%scan3A_13 = %scan3A) -> (i32)  : i32 {
      "tpu.region"() ({
        %run_scoped3A = tpu.sem_alloc : memref<!tpu.dma_semaphore, #tpu.memory_space<semaphore_mem>>
        %dma_start3A = arith.constant 0 : i32
        %dma_start3A_15 = tpu.memref_slice %arg6[%scan3A_12, %dma_start3A] : memref<80x128xi32, #tpu.memory_space<vmem>> -> memref<1x128xi32, #tpu.memory_space<vmem>>
        %dma_start3A_16 = tpu.memref_squeeze %dma_start3A_15 : memref<1x128xi32, #tpu.memory_space<vmem>> -> memref<128xi32, #tpu.memory_space<vmem>>
        %dma_start3A_17 = arith.constant 0 : i32
        %dma_start3A_18 = arith.constant 0 : i32
        %dma_start3A_19 = tpu.memref_slice %arg8[%dma_start3A_17, %dma_start3A_18] : memref<10496x128xf32, #tpu.memory_space<vmem_shared>> -> memref<10496x128xf32, #tpu.memory_space<vmem_shared>>
        tpu.enqueue_indirect_dma source(%arg7 : memref<128x128xf32, #tpu.memory_space<vmem>>) target(%dma_start3A_19 : memref<10496x128xf32, #tpu.memory_space<vmem_shared>>) offsets(%dma_start3A_16 : memref<128xi32, #tpu.memory_space<vmem>>) semaphore(%run_scoped3A : memref<!tpu.dma_semaphore, #tpu.memory_space<semaphore_mem>>) {add = true}
        %dma_wait3A = arith.constant 0 : i32
        %dma_wait3A_20 = tpu.memref_slice %arg6[%scan3A_12, %dma_wait3A] : memref<80x128xi32, #tpu.memory_space<vmem>> -> memref<1x128xi32, #tpu.memory_space<vmem>>
        %dma_wait3A_21 = tpu.memref_squeeze %dma_wait3A_20 : memref<1x128xi32, #tpu.memory_space<vmem>> -> memref<128xi32, #tpu.memory_space<vmem>>
        %dma_wait3A_22 = arith.constant 0 : i32
        %dma_wait3A_23 = arith.constant 0 : i32
        %dma_wait3A_24 = tpu.memref_slice %arg8[%dma_wait3A_22, %dma_wait3A_23] : memref<10496x128xf32, #tpu.memory_space<vmem_shared>> -> memref<10496x128xf32, #tpu.memory_space<vmem_shared>>
        tpu.wait_indirect_dma semaphore(%run_scoped3A : memref<!tpu.dma_semaphore, #tpu.memory_space<semaphore_mem>>) src(%arg7 : memref<128x128xf32, #tpu.memory_space<vmem>>) dst(%dma_wait3A_24 : memref<10496x128xf32, #tpu.memory_space<vmem_shared>>)
        tpu.yield
      }) : () -> ()
      %scan3A_14 = arith.constant 0 : i32
      scf.yield %scan3A_14 : i32
    }
    %scan3A_10 = arith.constant 80 : i32
    %barrier3A_11 = arith.constant 0 : index
    tpu.barrier barrier_id(%barrier3A_11)
    "tpu.region"() ({
      %run_scoped3A = tpu.sem_alloc : memref<!tpu.dma_semaphore, #tpu.memory_space<semaphore_mem>>
      %dma_start3A = arith.constant 0 : i32
      %dma_start3A_12 = tpu.memref_slice %arg5[%arg0, %mul3A_2, %dma_start3A] : memref<2x10496x128xf32, #tpu.memory_space<hbm>> -> memref<1x656x128xf32, #tpu.memory_space<hbm>>
      %dma_start3A_13 = tpu.memref_squeeze %dma_start3A_12 : memref<1x656x128xf32, #tpu.memory_space<hbm>> -> memref<656x128xf32, #tpu.memory_space<hbm>>
      %dma_start3A_14 = arith.constant 0 : i32
      %dma_start3A_15 = tpu.memref_slice %arg8[%mul3A_2, %dma_start3A_14] : memref<10496x128xf32, #tpu.memory_space<vmem_shared>> -> memref<656x128xf32, #tpu.memory_space<vmem_shared>>
      tpu.enqueue_dma source(%dma_start3A_15 : memref<656x128xf32, #tpu.memory_space<vmem_shared>>) target(%dma_start3A_13 : memref<656x128xf32, #tpu.memory_space<hbm>>) target_semaphore(%run_scoped3A : memref<!tpu.dma_semaphore, #tpu.memory_space<semaphore_mem>>)
      %dma_wait3A = arith.constant 0 : i32
      %dma_wait3A_16 = tpu.memref_slice %arg5[%arg0, %mul3A_2, %dma_wait3A] : memref<2x10496x128xf32, #tpu.memory_space<hbm>> -> memref<1x656x128xf32, #tpu.memory_space<hbm>>
      %dma_wait3A_17 = tpu.memref_squeeze %dma_wait3A_16 : memref<1x656x128xf32, #tpu.memory_space<hbm>> -> memref<656x128xf32, #tpu.memory_space<hbm>>
      %dma_wait3A_18 = arith.constant 0 : i32
      %dma_wait3A_19 = tpu.memref_slice %arg8[%mul3A_2, %dma_wait3A_18] : memref<10496x128xf32, #tpu.memory_space<vmem_shared>> -> memref<656x128xf32, #tpu.memory_space<vmem_shared>>
      tpu.wait_dma2 semaphore(%run_scoped3A : memref<!tpu.dma_semaphore, #tpu.memory_space<semaphore_mem>>) src(%dma_wait3A_19 : memref<656x128xf32, #tpu.memory_space<vmem_shared>>) dst(%dma_wait3A_17 : memref<656x128xf32, #tpu.memory_space<hbm>>)
      tpu.yield
    }) : () -> ()
    return
  }
}

#map = affine_map<(d0, d1) -> (0, 0)>
#map1 = affine_map<(d0, d1) -> (0, 0, 0)>
module attributes {stable_mosaic.version = 14 : i64} {
  func.func @_agg(%arg0: i32, %arg1: i32, %arg2: memref<10000x128xf32, #tpu.memory_space<hbm>>, %arg3: memref<2560x128xi32, #tpu.memory_space<hbm>>, %arg4: memref<2560x128xi32, #tpu.memory_space<hbm>>, %arg5: memref<656x128xf32, #tpu.memory_space<hbm>>, %arg6: memref<2x10496x128xf32, #tpu.memory_space<hbm>>, %arg7: memref<40x128xi32, #tpu.memory_space<vmem>>, %arg8: memref<40x128xi32, #tpu.memory_space<vmem>>, %arg9: memref<128x128xf32, #tpu.memory_space<vmem>>, %arg10: memref<128x128xf32, #tpu.memory_space<vmem>>, %arg11: memref<10496x128xf32, #tpu.memory_space<vmem_shared>>, %arg12: memref<!tpu.dma_semaphore, #tpu.memory_space<semaphore_mem>>, %arg13: memref<!tpu.dma_semaphore, #tpu.memory_space<semaphore_mem>>, %arg14: memref<!tpu.dma_semaphore, #tpu.memory_space<semaphore_mem>>, %arg15: memref<!tpu.dma_semaphore, #tpu.memory_space<semaphore_mem>>) attributes {dimension_semantics = [#tpu.dimension_semantics<core_parallel>, #tpu.dimension_semantics<subcore_parallel>], iteration_bounds = array<i64: 2, 16>, scalar_prefetch = 0 : i64, scratch_operands = 9 : i64, tpu.core_type = #tpu.core_type<sc_vector_subcore>, window_params = [{transform_indices = #map}, {transform_indices = #map}, {transform_indices = #map}, {transform_indices = #map}, {transform_indices = #map1}]} {
    %mul3A = arith.constant 2 : i32
    %mul3A_0 = arith.muli %arg1, %mul3A : i32
    %add3A = arith.addi %mul3A_0, %arg0 : i32
    %mul3A_1 = arith.constant 656 : i32
    %mul3A_2 = arith.muli %arg1, %mul3A_1 : i32
    "tpu.region"() ({
      %run_scoped3A = tpu.sem_alloc : memref<!tpu.dma_semaphore, #tpu.memory_space<semaphore_mem>>
      %dma_start3A_135 = arith.constant 0 : i32
      %dma_start3A_136 = tpu.memref_slice %arg11[%mul3A_2, %dma_start3A_135] : memref<10496x128xf32, #tpu.memory_space<vmem_shared>> -> memref<656x128xf32, #tpu.memory_space<vmem_shared>>
      tpu.enqueue_dma source(%arg5 : memref<656x128xf32, #tpu.memory_space<hbm>>) target(%dma_start3A_136 : memref<656x128xf32, #tpu.memory_space<vmem_shared>>) target_semaphore(%run_scoped3A : memref<!tpu.dma_semaphore, #tpu.memory_space<semaphore_mem>>)
      %dma_wait3A_137 = arith.constant 0 : i32
      %dma_wait3A_138 = tpu.memref_slice %arg11[%mul3A_2, %dma_wait3A_137] : memref<10496x128xf32, #tpu.memory_space<vmem_shared>> -> memref<656x128xf32, #tpu.memory_space<vmem_shared>>
      tpu.wait_dma2 semaphore(%run_scoped3A : memref<!tpu.dma_semaphore, #tpu.memory_space<semaphore_mem>>) src(%arg5 : memref<656x128xf32, #tpu.memory_space<hbm>>) dst(%dma_wait3A_138 : memref<656x128xf32, #tpu.memory_space<vmem_shared>>)
      tpu.yield
    }) : () -> ()
    %barrier3A = arith.constant 0 : index
    tpu.barrier barrier_id(%barrier3A)
    %mul3A_3 = arith.constant 80 : i32
    %mul3A_4 = arith.muli %add3A, %mul3A_3 : i32
    %add3A_5 = arith.constant 0 : i32
    %add3A_6 = arith.addi %mul3A_4, %add3A_5 : i32
    "tpu.region"() ({
      %run_scoped3A = tpu.sem_alloc : memref<!tpu.dma_semaphore, #tpu.memory_space<semaphore_mem>>
      %dma_start3A_135 = arith.constant 0 : i32
      %dma_start3A_136 = tpu.memref_slice %arg3[%add3A_6, %dma_start3A_135] : memref<2560x128xi32, #tpu.memory_space<hbm>> -> memref<40x128xi32, #tpu.memory_space<hbm>>
      %dma_start3A_137 = arith.constant 0 : i32
      %dma_start3A_138 = tpu.memref_slice %arg3[%add3A_6, %dma_start3A_137] : memref<2560x128xi32, #tpu.memory_space<hbm>> -> memref<40x128xi32, #tpu.memory_space<hbm>>
      tpu.enqueue_dma source(%dma_start3A_138 : memref<40x128xi32, #tpu.memory_space<hbm>>) target(%arg7 : memref<40x128xi32, #tpu.memory_space<vmem>>) target_semaphore(%run_scoped3A : memref<!tpu.dma_semaphore, #tpu.memory_space<semaphore_mem>>)
      %dma_wait3A_139 = arith.constant 0 : i32
      %dma_wait3A_140 = tpu.memref_slice %arg3[%add3A_6, %dma_wait3A_139] : memref<2560x128xi32, #tpu.memory_space<hbm>> -> memref<40x128xi32, #tpu.memory_space<hbm>>
      %dma_wait3A_141 = arith.constant 0 : i32
      %dma_wait3A_142 = tpu.memref_slice %arg3[%add3A_6, %dma_wait3A_141] : memref<2560x128xi32, #tpu.memory_space<hbm>> -> memref<40x128xi32, #tpu.memory_space<hbm>>
      tpu.wait_dma2 semaphore(%run_scoped3A : memref<!tpu.dma_semaphore, #tpu.memory_space<semaphore_mem>>) src(%dma_wait3A_142 : memref<40x128xi32, #tpu.memory_space<hbm>>) dst(%arg7 : memref<40x128xi32, #tpu.memory_space<vmem>>)
      tpu.yield
    }) : () -> ()
    "tpu.region"() ({
      %run_scoped3A = tpu.sem_alloc : memref<!tpu.dma_semaphore, #tpu.memory_space<semaphore_mem>>
      %dma_start3A_135 = arith.constant 0 : i32
      %dma_start3A_136 = tpu.memref_slice %arg4[%add3A_6, %dma_start3A_135] : memref<2560x128xi32, #tpu.memory_space<hbm>> -> memref<40x128xi32, #tpu.memory_space<hbm>>
      %dma_start3A_137 = arith.constant 0 : i32
      %dma_start3A_138 = tpu.memref_slice %arg4[%add3A_6, %dma_start3A_137] : memref<2560x128xi32, #tpu.memory_space<hbm>> -> memref<40x128xi32, #tpu.memory_space<hbm>>
      tpu.enqueue_dma source(%dma_start3A_138 : memref<40x128xi32, #tpu.memory_space<hbm>>) target(%arg8 : memref<40x128xi32, #tpu.memory_space<vmem>>) target_semaphore(%run_scoped3A : memref<!tpu.dma_semaphore, #tpu.memory_space<semaphore_mem>>)
      %dma_wait3A_139 = arith.constant 0 : i32
      %dma_wait3A_140 = tpu.memref_slice %arg4[%add3A_6, %dma_wait3A_139] : memref<2560x128xi32, #tpu.memory_space<hbm>> -> memref<40x128xi32, #tpu.memory_space<hbm>>
      %dma_wait3A_141 = arith.constant 0 : i32
      %dma_wait3A_142 = tpu.memref_slice %arg4[%add3A_6, %dma_wait3A_141] : memref<2560x128xi32, #tpu.memory_space<hbm>> -> memref<40x128xi32, #tpu.memory_space<hbm>>
      tpu.wait_dma2 semaphore(%run_scoped3A : memref<!tpu.dma_semaphore, #tpu.memory_space<semaphore_mem>>) src(%dma_wait3A_142 : memref<40x128xi32, #tpu.memory_space<hbm>>) dst(%arg8 : memref<40x128xi32, #tpu.memory_space<vmem>>)
      tpu.yield
    }) : () -> ()
    %dma_start3A = arith.constant 0 : i32
    %dma_start3A_7 = arith.constant 0 : i32
    %dma_start3A_8 = tpu.memref_slice %arg7[%dma_start3A, %dma_start3A_7] : memref<40x128xi32, #tpu.memory_space<vmem>> -> memref<1x128xi32, #tpu.memory_space<vmem>>
    %dma_start3A_9 = tpu.memref_squeeze %dma_start3A_8 : memref<1x128xi32, #tpu.memory_space<vmem>> -> memref<128xi32, #tpu.memory_space<vmem>>
    %dma_start3A_10 = arith.constant 0 : i32
    %dma_start3A_11 = arith.constant 0 : i32
    %dma_start3A_12 = tpu.memref_slice %arg2[%dma_start3A_10, %dma_start3A_11] : memref<10000x128xf32, #tpu.memory_space<hbm>> -> memref<10000x128xf32, #tpu.memory_space<hbm>>
    tpu.enqueue_indirect_dma source(%dma_start3A_12 : memref<10000x128xf32, #tpu.memory_space<hbm>>) target(%arg9 : memref<128x128xf32, #tpu.memory_space<vmem>>) offsets(%dma_start3A_9 : memref<128xi32, #tpu.memory_space<vmem>>) semaphore(%arg12 : memref<!tpu.dma_semaphore, #tpu.memory_space<semaphore_mem>>)
    %dma_wait3A = arith.constant 0 : i32
    %dma_wait3A_13 = arith.constant 0 : i32
    %dma_wait3A_14 = tpu.memref_slice %arg7[%dma_wait3A, %dma_wait3A_13] : memref<40x128xi32, #tpu.memory_space<vmem>> -> memref<1x128xi32, #tpu.memory_space<vmem>>
    %dma_wait3A_15 = tpu.memref_squeeze %dma_wait3A_14 : memref<1x128xi32, #tpu.memory_space<vmem>> -> memref<128xi32, #tpu.memory_space<vmem>>
    %dma_wait3A_16 = arith.constant 0 : i32
    %dma_wait3A_17 = arith.constant 0 : i32
    %dma_wait3A_18 = tpu.memref_slice %arg2[%dma_wait3A_16, %dma_wait3A_17] : memref<10000x128xf32, #tpu.memory_space<hbm>> -> memref<10000x128xf32, #tpu.memory_space<hbm>>
    tpu.wait_indirect_dma semaphore(%arg12 : memref<!tpu.dma_semaphore, #tpu.memory_space<semaphore_mem>>) src(%dma_wait3A_18 : memref<10000x128xf32, #tpu.memory_space<hbm>>) dst(%arg9 : memref<128x128xf32, #tpu.memory_space<vmem>>)
    %dma_start3A_19 = arith.constant 0 : i32
    %dma_start3A_20 = arith.constant 0 : i32
    %dma_start3A_21 = tpu.memref_slice %arg8[%dma_start3A_19, %dma_start3A_20] : memref<40x128xi32, #tpu.memory_space<vmem>> -> memref<1x128xi32, #tpu.memory_space<vmem>>
    %dma_start3A_22 = tpu.memref_squeeze %dma_start3A_21 : memref<1x128xi32, #tpu.memory_space<vmem>> -> memref<128xi32, #tpu.memory_space<vmem>>
    %dma_start3A_23 = arith.constant 0 : i32
    %dma_start3A_24 = arith.constant 0 : i32
    %dma_start3A_25 = tpu.memref_slice %arg11[%dma_start3A_23, %dma_start3A_24] : memref<10496x128xf32, #tpu.memory_space<vmem_shared>> -> memref<10496x128xf32, #tpu.memory_space<vmem_shared>>
    tpu.enqueue_indirect_dma source(%arg9 : memref<128x128xf32, #tpu.memory_space<vmem>>) target(%dma_start3A_25 : memref<10496x128xf32, #tpu.memory_space<vmem_shared>>) offsets(%dma_start3A_22 : memref<128xi32, #tpu.memory_space<vmem>>) semaphore(%arg14 : memref<!tpu.dma_semaphore, #tpu.memory_space<semaphore_mem>>) {add = true}
    %dma_start3A_26 = arith.constant 1 : i32
    %dma_start3A_27 = arith.constant 0 : i32
    %dma_start3A_28 = tpu.memref_slice %arg7[%dma_start3A_26, %dma_start3A_27] : memref<40x128xi32, #tpu.memory_space<vmem>> -> memref<1x128xi32, #tpu.memory_space<vmem>>
    %dma_start3A_29 = tpu.memref_squeeze %dma_start3A_28 : memref<1x128xi32, #tpu.memory_space<vmem>> -> memref<128xi32, #tpu.memory_space<vmem>>
    %dma_start3A_30 = arith.constant 0 : i32
    %dma_start3A_31 = arith.constant 0 : i32
    %dma_start3A_32 = tpu.memref_slice %arg2[%dma_start3A_30, %dma_start3A_31] : memref<10000x128xf32, #tpu.memory_space<hbm>> -> memref<10000x128xf32, #tpu.memory_space<hbm>>
    tpu.enqueue_indirect_dma source(%dma_start3A_32 : memref<10000x128xf32, #tpu.memory_space<hbm>>) target(%arg10 : memref<128x128xf32, #tpu.memory_space<vmem>>) offsets(%dma_start3A_29 : memref<128xi32, #tpu.memory_space<vmem>>) semaphore(%arg13 : memref<!tpu.dma_semaphore, #tpu.memory_space<semaphore_mem>>)
    %scan3A = arith.constant 0 : i32
    %scan3A_33 = arith.constant 0 : i32
    %scan3A_34 = arith.constant 19 : i32
    %scan3A_35 = arith.addi %scan3A_33, %scan3A_34 : i32
    %scan3A_36 = arith.constant 1 : i32
    %scan3A_37 = scf.for %scan3A_135 = %scan3A_33 to %scan3A_35 step %scan3A_36 iter_args(%scan3A_136 = %scan3A) -> (i32)  : i32 {
      %mul3A_137 = arith.constant 2 : i32
      %mul3A_138 = arith.muli %mul3A_137, %scan3A_135 : i32
      %add3A_139 = arith.constant 1 : i32
      %add3A_140 = arith.addi %mul3A_138, %add3A_139 : i32
      %dma_wait3A_141 = arith.constant 0 : i32
      %dma_wait3A_142 = tpu.memref_slice %arg7[%add3A_140, %dma_wait3A_141] : memref<40x128xi32, #tpu.memory_space<vmem>> -> memref<1x128xi32, #tpu.memory_space<vmem>>
      %dma_wait3A_143 = tpu.memref_squeeze %dma_wait3A_142 : memref<1x128xi32, #tpu.memory_space<vmem>> -> memref<128xi32, #tpu.memory_space<vmem>>
      %dma_wait3A_144 = arith.constant 0 : i32
      %dma_wait3A_145 = arith.constant 0 : i32
      %dma_wait3A_146 = tpu.memref_slice %arg2[%dma_wait3A_144, %dma_wait3A_145] : memref<10000x128xf32, #tpu.memory_space<hbm>> -> memref<10000x128xf32, #tpu.memory_space<hbm>>
      tpu.wait_indirect_dma semaphore(%arg13 : memref<!tpu.dma_semaphore, #tpu.memory_space<semaphore_mem>>) src(%dma_wait3A_146 : memref<10000x128xf32, #tpu.memory_space<hbm>>) dst(%arg10 : memref<128x128xf32, #tpu.memory_space<vmem>>)
      %sub3A = arith.constant 1 : i32
      %sub3A_147 = arith.subi %add3A_140, %sub3A : i32
      %dma_wait3A_148 = arith.constant 0 : i32
      %dma_wait3A_149 = tpu.memref_slice %arg8[%sub3A_147, %dma_wait3A_148] : memref<40x128xi32, #tpu.memory_space<vmem>> -> memref<1x128xi32, #tpu.memory_space<vmem>>
      %dma_wait3A_150 = tpu.memref_squeeze %dma_wait3A_149 : memref<1x128xi32, #tpu.memory_space<vmem>> -> memref<128xi32, #tpu.memory_space<vmem>>
      %dma_wait3A_151 = arith.constant 0 : i32
      %dma_wait3A_152 = arith.constant 0 : i32
      %dma_wait3A_153 = tpu.memref_slice %arg11[%dma_wait3A_151, %dma_wait3A_152] : memref<10496x128xf32, #tpu.memory_space<vmem_shared>> -> memref<10496x128xf32, #tpu.memory_space<vmem_shared>>
      tpu.wait_indirect_dma semaphore(%arg14 : memref<!tpu.dma_semaphore, #tpu.memory_space<semaphore_mem>>) src(%arg9 : memref<128x128xf32, #tpu.memory_space<vmem>>) dst(%dma_wait3A_153 : memref<10496x128xf32, #tpu.memory_space<vmem_shared>>)
      %dma_start3A_154 = arith.constant 0 : i32
      %dma_start3A_155 = tpu.memref_slice %arg8[%add3A_140, %dma_start3A_154] : memref<40x128xi32, #tpu.memory_space<vmem>> -> memref<1x128xi32, #tpu.memory_space<vmem>>
      %dma_start3A_156 = tpu.memref_squeeze %dma_start3A_155 : memref<1x128xi32, #tpu.memory_space<vmem>> -> memref<128xi32, #tpu.memory_space<vmem>>
      %dma_start3A_157 = arith.constant 0 : i32
      %dma_start3A_158 = arith.constant 0 : i32
      %dma_start3A_159 = tpu.memref_slice %arg11[%dma_start3A_157, %dma_start3A_158] : memref<10496x128xf32, #tpu.memory_space<vmem_shared>> -> memref<10496x128xf32, #tpu.memory_space<vmem_shared>>
      tpu.enqueue_indirect_dma source(%arg10 : memref<128x128xf32, #tpu.memory_space<vmem>>) target(%dma_start3A_159 : memref<10496x128xf32, #tpu.memory_space<vmem_shared>>) offsets(%dma_start3A_156 : memref<128xi32, #tpu.memory_space<vmem>>) semaphore(%arg15 : memref<!tpu.dma_semaphore, #tpu.memory_space<semaphore_mem>>) {add = true}
      %add3A_160 = arith.constant 1 : i32
      %add3A_161 = arith.addi %add3A_140, %add3A_160 : i32
      %dma_start3A_162 = arith.constant 0 : i32
      %dma_start3A_163 = tpu.memref_slice %arg7[%add3A_161, %dma_start3A_162] : memref<40x128xi32, #tpu.memory_space<vmem>> -> memref<1x128xi32, #tpu.memory_space<vmem>>
      %dma_start3A_164 = tpu.memref_squeeze %dma_start3A_163 : memref<1x128xi32, #tpu.memory_space<vmem>> -> memref<128xi32, #tpu.memory_space<vmem>>
      %dma_start3A_165 = arith.constant 0 : i32
      %dma_start3A_166 = arith.constant 0 : i32
      %dma_start3A_167 = tpu.memref_slice %arg2[%dma_start3A_165, %dma_start3A_166] : memref<10000x128xf32, #tpu.memory_space<hbm>> -> memref<10000x128xf32, #tpu.memory_space<hbm>>
      tpu.enqueue_indirect_dma source(%dma_start3A_167 : memref<10000x128xf32, #tpu.memory_space<hbm>>) target(%arg9 : memref<128x128xf32, #tpu.memory_space<vmem>>) offsets(%dma_start3A_164 : memref<128xi32, #tpu.memory_space<vmem>>) semaphore(%arg12 : memref<!tpu.dma_semaphore, #tpu.memory_space<semaphore_mem>>)
      %add3A_168 = arith.constant 1 : i32
      %add3A_169 = arith.addi %add3A_140, %add3A_168 : i32
      %dma_wait3A_170 = arith.constant 0 : i32
      %dma_wait3A_171 = tpu.memref_slice %arg7[%add3A_169, %dma_wait3A_170] : memref<40x128xi32, #tpu.memory_space<vmem>> -> memref<1x128xi32, #tpu.memory_space<vmem>>
      %dma_wait3A_172 = tpu.memref_squeeze %dma_wait3A_171 : memref<1x128xi32, #tpu.memory_space<vmem>> -> memref<128xi32, #tpu.memory_space<vmem>>
      %dma_wait3A_173 = arith.constant 0 : i32
      %dma_wait3A_174 = arith.constant 0 : i32
      %dma_wait3A_175 = tpu.memref_slice %arg2[%dma_wait3A_173, %dma_wait3A_174] : memref<10000x128xf32, #tpu.memory_space<hbm>> -> memref<10000x128xf32, #tpu.memory_space<hbm>>
      tpu.wait_indirect_dma semaphore(%arg12 : memref<!tpu.dma_semaphore, #tpu.memory_space<semaphore_mem>>) src(%dma_wait3A_175 : memref<10000x128xf32, #tpu.memory_space<hbm>>) dst(%arg9 : memref<128x128xf32, #tpu.memory_space<vmem>>)
      %dma_wait3A_176 = arith.constant 0 : i32
      %dma_wait3A_177 = tpu.memref_slice %arg8[%add3A_140, %dma_wait3A_176] : memref<40x128xi32, #tpu.memory_space<vmem>> -> memref<1x128xi32, #tpu.memory_space<vmem>>
      %dma_wait3A_178 = tpu.memref_squeeze %dma_wait3A_177 : memref<1x128xi32, #tpu.memory_space<vmem>> -> memref<128xi32, #tpu.memory_space<vmem>>
      %dma_wait3A_179 = arith.constant 0 : i32
      %dma_wait3A_180 = arith.constant 0 : i32
      %dma_wait3A_181 = tpu.memref_slice %arg11[%dma_wait3A_179, %dma_wait3A_180] : memref<10496x128xf32, #tpu.memory_space<vmem_shared>> -> memref<10496x128xf32, #tpu.memory_space<vmem_shared>>
      tpu.wait_indirect_dma semaphore(%arg15 : memref<!tpu.dma_semaphore, #tpu.memory_space<semaphore_mem>>) src(%arg10 : memref<128x128xf32, #tpu.memory_space<vmem>>) dst(%dma_wait3A_181 : memref<10496x128xf32, #tpu.memory_space<vmem_shared>>)
      %add3A_182 = arith.constant 1 : i32
      %add3A_183 = arith.addi %add3A_140, %add3A_182 : i32
      %dma_start3A_184 = arith.constant 0 : i32
      %dma_start3A_185 = tpu.memref_slice %arg8[%add3A_183, %dma_start3A_184] : memref<40x128xi32, #tpu.memory_space<vmem>> -> memref<1x128xi32, #tpu.memory_space<vmem>>
      %dma_start3A_186 = tpu.memref_squeeze %dma_start3A_185 : memref<1x128xi32, #tpu.memory_space<vmem>> -> memref<128xi32, #tpu.memory_space<vmem>>
      %dma_start3A_187 = arith.constant 0 : i32
      %dma_start3A_188 = arith.constant 0 : i32
      %dma_start3A_189 = tpu.memref_slice %arg11[%dma_start3A_187, %dma_start3A_188] : memref<10496x128xf32, #tpu.memory_space<vmem_shared>> -> memref<10496x128xf32, #tpu.memory_space<vmem_shared>>
      tpu.enqueue_indirect_dma source(%arg9 : memref<128x128xf32, #tpu.memory_space<vmem>>) target(%dma_start3A_189 : memref<10496x128xf32, #tpu.memory_space<vmem_shared>>) offsets(%dma_start3A_186 : memref<128xi32, #tpu.memory_space<vmem>>) semaphore(%arg14 : memref<!tpu.dma_semaphore, #tpu.memory_space<semaphore_mem>>) {add = true}
      %add3A_190 = arith.constant 2 : i32
      %add3A_191 = arith.addi %add3A_140, %add3A_190 : i32
      %dma_start3A_192 = arith.constant 0 : i32
      %dma_start3A_193 = tpu.memref_slice %arg7[%add3A_191, %dma_start3A_192] : memref<40x128xi32, #tpu.memory_space<vmem>> -> memref<1x128xi32, #tpu.memory_space<vmem>>
      %dma_start3A_194 = tpu.memref_squeeze %dma_start3A_193 : memref<1x128xi32, #tpu.memory_space<vmem>> -> memref<128xi32, #tpu.memory_space<vmem>>
      %dma_start3A_195 = arith.constant 0 : i32
      %dma_start3A_196 = arith.constant 0 : i32
      %dma_start3A_197 = tpu.memref_slice %arg2[%dma_start3A_195, %dma_start3A_196] : memref<10000x128xf32, #tpu.memory_space<hbm>> -> memref<10000x128xf32, #tpu.memory_space<hbm>>
      tpu.enqueue_indirect_dma source(%dma_start3A_197 : memref<10000x128xf32, #tpu.memory_space<hbm>>) target(%arg10 : memref<128x128xf32, #tpu.memory_space<vmem>>) offsets(%dma_start3A_194 : memref<128xi32, #tpu.memory_space<vmem>>) semaphore(%arg13 : memref<!tpu.dma_semaphore, #tpu.memory_space<semaphore_mem>>)
      %scan3A_198 = arith.constant 0 : i32
      scf.yield %scan3A_198 : i32
    }
    %scan3A_38 = arith.constant 19 : i32
    %dma_wait3A_39 = arith.constant 39 : i32
    %dma_wait3A_40 = arith.constant 0 : i32
    %dma_wait3A_41 = tpu.memref_slice %arg7[%dma_wait3A_39, %dma_wait3A_40] : memref<40x128xi32, #tpu.memory_space<vmem>> -> memref<1x128xi32, #tpu.memory_space<vmem>>
    %dma_wait3A_42 = tpu.memref_squeeze %dma_wait3A_41 : memref<1x128xi32, #tpu.memory_space<vmem>> -> memref<128xi32, #tpu.memory_space<vmem>>
    %dma_wait3A_43 = arith.constant 0 : i32
    %dma_wait3A_44 = arith.constant 0 : i32
    %dma_wait3A_45 = tpu.memref_slice %arg2[%dma_wait3A_43, %dma_wait3A_44] : memref<10000x128xf32, #tpu.memory_space<hbm>> -> memref<10000x128xf32, #tpu.memory_space<hbm>>
    tpu.wait_indirect_dma semaphore(%arg13 : memref<!tpu.dma_semaphore, #tpu.memory_space<semaphore_mem>>) src(%dma_wait3A_45 : memref<10000x128xf32, #tpu.memory_space<hbm>>) dst(%arg10 : memref<128x128xf32, #tpu.memory_space<vmem>>)
    %dma_wait3A_46 = arith.constant 38 : i32
    %dma_wait3A_47 = arith.constant 0 : i32
    %dma_wait3A_48 = tpu.memref_slice %arg8[%dma_wait3A_46, %dma_wait3A_47] : memref<40x128xi32, #tpu.memory_space<vmem>> -> memref<1x128xi32, #tpu.memory_space<vmem>>
    %dma_wait3A_49 = tpu.memref_squeeze %dma_wait3A_48 : memref<1x128xi32, #tpu.memory_space<vmem>> -> memref<128xi32, #tpu.memory_space<vmem>>
    %dma_wait3A_50 = arith.constant 0 : i32
    %dma_wait3A_51 = arith.constant 0 : i32
    %dma_wait3A_52 = tpu.memref_slice %arg11[%dma_wait3A_50, %dma_wait3A_51] : memref<10496x128xf32, #tpu.memory_space<vmem_shared>> -> memref<10496x128xf32, #tpu.memory_space<vmem_shared>>
    tpu.wait_indirect_dma semaphore(%arg14 : memref<!tpu.dma_semaphore, #tpu.memory_space<semaphore_mem>>) src(%arg9 : memref<128x128xf32, #tpu.memory_space<vmem>>) dst(%dma_wait3A_52 : memref<10496x128xf32, #tpu.memory_space<vmem_shared>>)
    %dma_start3A_53 = arith.constant 39 : i32
    %dma_start3A_54 = arith.constant 0 : i32
    %dma_start3A_55 = tpu.memref_slice %arg8[%dma_start3A_53, %dma_start3A_54] : memref<40x128xi32, #tpu.memory_space<vmem>> -> memref<1x128xi32, #tpu.memory_space<vmem>>
    %dma_start3A_56 = tpu.memref_squeeze %dma_start3A_55 : memref<1x128xi32, #tpu.memory_space<vmem>> -> memref<128xi32, #tpu.memory_space<vmem>>
    %dma_start3A_57 = arith.constant 0 : i32
    %dma_start3A_58 = arith.constant 0 : i32
    %dma_start3A_59 = tpu.memref_slice %arg11[%dma_start3A_57, %dma_start3A_58] : memref<10496x128xf32, #tpu.memory_space<vmem_shared>> -> memref<10496x128xf32, #tpu.memory_space<vmem_shared>>
    tpu.enqueue_indirect_dma source(%arg10 : memref<128x128xf32, #tpu.memory_space<vmem>>) target(%dma_start3A_59 : memref<10496x128xf32, #tpu.memory_space<vmem_shared>>) offsets(%dma_start3A_56 : memref<128xi32, #tpu.memory_space<vmem>>) semaphore(%arg15 : memref<!tpu.dma_semaphore, #tpu.memory_space<semaphore_mem>>) {add = true}
    %dma_wait3A_60 = arith.constant 39 : i32
    %dma_wait3A_61 = arith.constant 0 : i32
    %dma_wait3A_62 = tpu.memref_slice %arg8[%dma_wait3A_60, %dma_wait3A_61] : memref<40x128xi32, #tpu.memory_space<vmem>> -> memref<1x128xi32, #tpu.memory_space<vmem>>
    %dma_wait3A_63 = tpu.memref_squeeze %dma_wait3A_62 : memref<1x128xi32, #tpu.memory_space<vmem>> -> memref<128xi32, #tpu.memory_space<vmem>>
    %dma_wait3A_64 = arith.constant 0 : i32
    %dma_wait3A_65 = arith.constant 0 : i32
    %dma_wait3A_66 = tpu.memref_slice %arg11[%dma_wait3A_64, %dma_wait3A_65] : memref<10496x128xf32, #tpu.memory_space<vmem_shared>> -> memref<10496x128xf32, #tpu.memory_space<vmem_shared>>
    tpu.wait_indirect_dma semaphore(%arg15 : memref<!tpu.dma_semaphore, #tpu.memory_space<semaphore_mem>>) src(%arg10 : memref<128x128xf32, #tpu.memory_space<vmem>>) dst(%dma_wait3A_66 : memref<10496x128xf32, #tpu.memory_space<vmem_shared>>)
    %mul3A_67 = arith.constant 80 : i32
    %mul3A_68 = arith.muli %add3A, %mul3A_67 : i32
    %add3A_69 = arith.constant 40 : i32
    %add3A_70 = arith.addi %mul3A_68, %add3A_69 : i32
    "tpu.region"() ({
      %run_scoped3A = tpu.sem_alloc : memref<!tpu.dma_semaphore, #tpu.memory_space<semaphore_mem>>
      %dma_start3A_135 = arith.constant 0 : i32
      %dma_start3A_136 = tpu.memref_slice %arg3[%add3A_70, %dma_start3A_135] : memref<2560x128xi32, #tpu.memory_space<hbm>> -> memref<40x128xi32, #tpu.memory_space<hbm>>
      %dma_start3A_137 = arith.constant 0 : i32
      %dma_start3A_138 = tpu.memref_slice %arg3[%add3A_70, %dma_start3A_137] : memref<2560x128xi32, #tpu.memory_space<hbm>> -> memref<40x128xi32, #tpu.memory_space<hbm>>
      tpu.enqueue_dma source(%dma_start3A_138 : memref<40x128xi32, #tpu.memory_space<hbm>>) target(%arg7 : memref<40x128xi32, #tpu.memory_space<vmem>>) target_semaphore(%run_scoped3A : memref<!tpu.dma_semaphore, #tpu.memory_space<semaphore_mem>>)
      %dma_wait3A_139 = arith.constant 0 : i32
      %dma_wait3A_140 = tpu.memref_slice %arg3[%add3A_70, %dma_wait3A_139] : memref<2560x128xi32, #tpu.memory_space<hbm>> -> memref<40x128xi32, #tpu.memory_space<hbm>>
      %dma_wait3A_141 = arith.constant 0 : i32
      %dma_wait3A_142 = tpu.memref_slice %arg3[%add3A_70, %dma_wait3A_141] : memref<2560x128xi32, #tpu.memory_space<hbm>> -> memref<40x128xi32, #tpu.memory_space<hbm>>
      tpu.wait_dma2 semaphore(%run_scoped3A : memref<!tpu.dma_semaphore, #tpu.memory_space<semaphore_mem>>) src(%dma_wait3A_142 : memref<40x128xi32, #tpu.memory_space<hbm>>) dst(%arg7 : memref<40x128xi32, #tpu.memory_space<vmem>>)
      tpu.yield
    }) : () -> ()
    "tpu.region"() ({
      %run_scoped3A = tpu.sem_alloc : memref<!tpu.dma_semaphore, #tpu.memory_space<semaphore_mem>>
      %dma_start3A_135 = arith.constant 0 : i32
      %dma_start3A_136 = tpu.memref_slice %arg4[%add3A_70, %dma_start3A_135] : memref<2560x128xi32, #tpu.memory_space<hbm>> -> memref<40x128xi32, #tpu.memory_space<hbm>>
      %dma_start3A_137 = arith.constant 0 : i32
      %dma_start3A_138 = tpu.memref_slice %arg4[%add3A_70, %dma_start3A_137] : memref<2560x128xi32, #tpu.memory_space<hbm>> -> memref<40x128xi32, #tpu.memory_space<hbm>>
      tpu.enqueue_dma source(%dma_start3A_138 : memref<40x128xi32, #tpu.memory_space<hbm>>) target(%arg8 : memref<40x128xi32, #tpu.memory_space<vmem>>) target_semaphore(%run_scoped3A : memref<!tpu.dma_semaphore, #tpu.memory_space<semaphore_mem>>)
      %dma_wait3A_139 = arith.constant 0 : i32
      %dma_wait3A_140 = tpu.memref_slice %arg4[%add3A_70, %dma_wait3A_139] : memref<2560x128xi32, #tpu.memory_space<hbm>> -> memref<40x128xi32, #tpu.memory_space<hbm>>
      %dma_wait3A_141 = arith.constant 0 : i32
      %dma_wait3A_142 = tpu.memref_slice %arg4[%add3A_70, %dma_wait3A_141] : memref<2560x128xi32, #tpu.memory_space<hbm>> -> memref<40x128xi32, #tpu.memory_space<hbm>>
      tpu.wait_dma2 semaphore(%run_scoped3A : memref<!tpu.dma_semaphore, #tpu.memory_space<semaphore_mem>>) src(%dma_wait3A_142 : memref<40x128xi32, #tpu.memory_space<hbm>>) dst(%arg8 : memref<40x128xi32, #tpu.memory_space<vmem>>)
      tpu.yield
    }) : () -> ()
    %dma_start3A_71 = arith.constant 0 : i32
    %dma_start3A_72 = arith.constant 0 : i32
    %dma_start3A_73 = tpu.memref_slice %arg7[%dma_start3A_71, %dma_start3A_72] : memref<40x128xi32, #tpu.memory_space<vmem>> -> memref<1x128xi32, #tpu.memory_space<vmem>>
    %dma_start3A_74 = tpu.memref_squeeze %dma_start3A_73 : memref<1x128xi32, #tpu.memory_space<vmem>> -> memref<128xi32, #tpu.memory_space<vmem>>
    %dma_start3A_75 = arith.constant 0 : i32
    %dma_start3A_76 = arith.constant 0 : i32
    %dma_start3A_77 = tpu.memref_slice %arg2[%dma_start3A_75, %dma_start3A_76] : memref<10000x128xf32, #tpu.memory_space<hbm>> -> memref<10000x128xf32, #tpu.memory_space<hbm>>
    tpu.enqueue_indirect_dma source(%dma_start3A_77 : memref<10000x128xf32, #tpu.memory_space<hbm>>) target(%arg9 : memref<128x128xf32, #tpu.memory_space<vmem>>) offsets(%dma_start3A_74 : memref<128xi32, #tpu.memory_space<vmem>>) semaphore(%arg12 : memref<!tpu.dma_semaphore, #tpu.memory_space<semaphore_mem>>)
    %dma_wait3A_78 = arith.constant 0 : i32
    %dma_wait3A_79 = arith.constant 0 : i32
    %dma_wait3A_80 = tpu.memref_slice %arg7[%dma_wait3A_78, %dma_wait3A_79] : memref<40x128xi32, #tpu.memory_space<vmem>> -> memref<1x128xi32, #tpu.memory_space<vmem>>
    %dma_wait3A_81 = tpu.memref_squeeze %dma_wait3A_80 : memref<1x128xi32, #tpu.memory_space<vmem>> -> memref<128xi32, #tpu.memory_space<vmem>>
    %dma_wait3A_82 = arith.constant 0 : i32
    %dma_wait3A_83 = arith.constant 0 : i32
    %dma_wait3A_84 = tpu.memref_slice %arg2[%dma_wait3A_82, %dma_wait3A_83] : memref<10000x128xf32, #tpu.memory_space<hbm>> -> memref<10000x128xf32, #tpu.memory_space<hbm>>
    tpu.wait_indirect_dma semaphore(%arg12 : memref<!tpu.dma_semaphore, #tpu.memory_space<semaphore_mem>>) src(%dma_wait3A_84 : memref<10000x128xf32, #tpu.memory_space<hbm>>) dst(%arg9 : memref<128x128xf32, #tpu.memory_space<vmem>>)
    %dma_start3A_85 = arith.constant 0 : i32
    %dma_start3A_86 = arith.constant 0 : i32
    %dma_start3A_87 = tpu.memref_slice %arg8[%dma_start3A_85, %dma_start3A_86] : memref<40x128xi32, #tpu.memory_space<vmem>> -> memref<1x128xi32, #tpu.memory_space<vmem>>
    %dma_start3A_88 = tpu.memref_squeeze %dma_start3A_87 : memref<1x128xi32, #tpu.memory_space<vmem>> -> memref<128xi32, #tpu.memory_space<vmem>>
    %dma_start3A_89 = arith.constant 0 : i32
    %dma_start3A_90 = arith.constant 0 : i32
    %dma_start3A_91 = tpu.memref_slice %arg11[%dma_start3A_89, %dma_start3A_90] : memref<10496x128xf32, #tpu.memory_space<vmem_shared>> -> memref<10496x128xf32, #tpu.memory_space<vmem_shared>>
    tpu.enqueue_indirect_dma source(%arg9 : memref<128x128xf32, #tpu.memory_space<vmem>>) target(%dma_start3A_91 : memref<10496x128xf32, #tpu.memory_space<vmem_shared>>) offsets(%dma_start3A_88 : memref<128xi32, #tpu.memory_space<vmem>>) semaphore(%arg14 : memref<!tpu.dma_semaphore, #tpu.memory_space<semaphore_mem>>) {add = true}
    %dma_start3A_92 = arith.constant 1 : i32
    %dma_start3A_93 = arith.constant 0 : i32
    %dma_start3A_94 = tpu.memref_slice %arg7[%dma_start3A_92, %dma_start3A_93] : memref<40x128xi32, #tpu.memory_space<vmem>> -> memref<1x128xi32, #tpu.memory_space<vmem>>
    %dma_start3A_95 = tpu.memref_squeeze %dma_start3A_94 : memref<1x128xi32, #tpu.memory_space<vmem>> -> memref<128xi32, #tpu.memory_space<vmem>>
    %dma_start3A_96 = arith.constant 0 : i32
    %dma_start3A_97 = arith.constant 0 : i32
    %dma_start3A_98 = tpu.memref_slice %arg2[%dma_start3A_96, %dma_start3A_97] : memref<10000x128xf32, #tpu.memory_space<hbm>> -> memref<10000x128xf32, #tpu.memory_space<hbm>>
    tpu.enqueue_indirect_dma source(%dma_start3A_98 : memref<10000x128xf32, #tpu.memory_space<hbm>>) target(%arg10 : memref<128x128xf32, #tpu.memory_space<vmem>>) offsets(%dma_start3A_95 : memref<128xi32, #tpu.memory_space<vmem>>) semaphore(%arg13 : memref<!tpu.dma_semaphore, #tpu.memory_space<semaphore_mem>>)
    %scan3A_99 = arith.constant 0 : i32
    %scan3A_100 = arith.constant 0 : i32
    %scan3A_101 = arith.constant 19 : i32
    %scan3A_102 = arith.addi %scan3A_100, %scan3A_101 : i32
    %scan3A_103 = arith.constant 1 : i32
    %scan3A_104 = scf.for %scan3A_135 = %scan3A_100 to %scan3A_102 step %scan3A_103 iter_args(%scan3A_136 = %scan3A_99) -> (i32)  : i32 {
      %mul3A_137 = arith.constant 2 : i32
      %mul3A_138 = arith.muli %mul3A_137, %scan3A_135 : i32
      %add3A_139 = arith.constant 1 : i32
      %add3A_140 = arith.addi %mul3A_138, %add3A_139 : i32
      %dma_wait3A_141 = arith.constant 0 : i32
      %dma_wait3A_142 = tpu.memref_slice %arg7[%add3A_140, %dma_wait3A_141] : memref<40x128xi32, #tpu.memory_space<vmem>> -> memref<1x128xi32, #tpu.memory_space<vmem>>
      %dma_wait3A_143 = tpu.memref_squeeze %dma_wait3A_142 : memref<1x128xi32, #tpu.memory_space<vmem>> -> memref<128xi32, #tpu.memory_space<vmem>>
      %dma_wait3A_144 = arith.constant 0 : i32
      %dma_wait3A_145 = arith.constant 0 : i32
      %dma_wait3A_146 = tpu.memref_slice %arg2[%dma_wait3A_144, %dma_wait3A_145] : memref<10000x128xf32, #tpu.memory_space<hbm>> -> memref<10000x128xf32, #tpu.memory_space<hbm>>
      tpu.wait_indirect_dma semaphore(%arg13 : memref<!tpu.dma_semaphore, #tpu.memory_space<semaphore_mem>>) src(%dma_wait3A_146 : memref<10000x128xf32, #tpu.memory_space<hbm>>) dst(%arg10 : memref<128x128xf32, #tpu.memory_space<vmem>>)
      %sub3A = arith.constant 1 : i32
      %sub3A_147 = arith.subi %add3A_140, %sub3A : i32
      %dma_wait3A_148 = arith.constant 0 : i32
      %dma_wait3A_149 = tpu.memref_slice %arg8[%sub3A_147, %dma_wait3A_148] : memref<40x128xi32, #tpu.memory_space<vmem>> -> memref<1x128xi32, #tpu.memory_space<vmem>>
      %dma_wait3A_150 = tpu.memref_squeeze %dma_wait3A_149 : memref<1x128xi32, #tpu.memory_space<vmem>> -> memref<128xi32, #tpu.memory_space<vmem>>
      %dma_wait3A_151 = arith.constant 0 : i32
      %dma_wait3A_152 = arith.constant 0 : i32
      %dma_wait3A_153 = tpu.memref_slice %arg11[%dma_wait3A_151, %dma_wait3A_152] : memref<10496x128xf32, #tpu.memory_space<vmem_shared>> -> memref<10496x128xf32, #tpu.memory_space<vmem_shared>>
      tpu.wait_indirect_dma semaphore(%arg14 : memref<!tpu.dma_semaphore, #tpu.memory_space<semaphore_mem>>) src(%arg9 : memref<128x128xf32, #tpu.memory_space<vmem>>) dst(%dma_wait3A_153 : memref<10496x128xf32, #tpu.memory_space<vmem_shared>>)
      %dma_start3A_154 = arith.constant 0 : i32
      %dma_start3A_155 = tpu.memref_slice %arg8[%add3A_140, %dma_start3A_154] : memref<40x128xi32, #tpu.memory_space<vmem>> -> memref<1x128xi32, #tpu.memory_space<vmem>>
      %dma_start3A_156 = tpu.memref_squeeze %dma_start3A_155 : memref<1x128xi32, #tpu.memory_space<vmem>> -> memref<128xi32, #tpu.memory_space<vmem>>
      %dma_start3A_157 = arith.constant 0 : i32
      %dma_start3A_158 = arith.constant 0 : i32
      %dma_start3A_159 = tpu.memref_slice %arg11[%dma_start3A_157, %dma_start3A_158] : memref<10496x128xf32, #tpu.memory_space<vmem_shared>> -> memref<10496x128xf32, #tpu.memory_space<vmem_shared>>
      tpu.enqueue_indirect_dma source(%arg10 : memref<128x128xf32, #tpu.memory_space<vmem>>) target(%dma_start3A_159 : memref<10496x128xf32, #tpu.memory_space<vmem_shared>>) offsets(%dma_start3A_156 : memref<128xi32, #tpu.memory_space<vmem>>) semaphore(%arg15 : memref<!tpu.dma_semaphore, #tpu.memory_space<semaphore_mem>>) {add = true}
      %add3A_160 = arith.constant 1 : i32
      %add3A_161 = arith.addi %add3A_140, %add3A_160 : i32
      %dma_start3A_162 = arith.constant 0 : i32
      %dma_start3A_163 = tpu.memref_slice %arg7[%add3A_161, %dma_start3A_162] : memref<40x128xi32, #tpu.memory_space<vmem>> -> memref<1x128xi32, #tpu.memory_space<vmem>>
      %dma_start3A_164 = tpu.memref_squeeze %dma_start3A_163 : memref<1x128xi32, #tpu.memory_space<vmem>> -> memref<128xi32, #tpu.memory_space<vmem>>
      %dma_start3A_165 = arith.constant 0 : i32
      %dma_start3A_166 = arith.constant 0 : i32
      %dma_start3A_167 = tpu.memref_slice %arg2[%dma_start3A_165, %dma_start3A_166] : memref<10000x128xf32, #tpu.memory_space<hbm>> -> memref<10000x128xf32, #tpu.memory_space<hbm>>
      tpu.enqueue_indirect_dma source(%dma_start3A_167 : memref<10000x128xf32, #tpu.memory_space<hbm>>) target(%arg9 : memref<128x128xf32, #tpu.memory_space<vmem>>) offsets(%dma_start3A_164 : memref<128xi32, #tpu.memory_space<vmem>>) semaphore(%arg12 : memref<!tpu.dma_semaphore, #tpu.memory_space<semaphore_mem>>)
      %add3A_168 = arith.constant 1 : i32
      %add3A_169 = arith.addi %add3A_140, %add3A_168 : i32
      %dma_wait3A_170 = arith.constant 0 : i32
      %dma_wait3A_171 = tpu.memref_slice %arg7[%add3A_169, %dma_wait3A_170] : memref<40x128xi32, #tpu.memory_space<vmem>> -> memref<1x128xi32, #tpu.memory_space<vmem>>
      %dma_wait3A_172 = tpu.memref_squeeze %dma_wait3A_171 : memref<1x128xi32, #tpu.memory_space<vmem>> -> memref<128xi32, #tpu.memory_space<vmem>>
      %dma_wait3A_173 = arith.constant 0 : i32
      %dma_wait3A_174 = arith.constant 0 : i32
      %dma_wait3A_175 = tpu.memref_slice %arg2[%dma_wait3A_173, %dma_wait3A_174] : memref<10000x128xf32, #tpu.memory_space<hbm>> -> memref<10000x128xf32, #tpu.memory_space<hbm>>
      tpu.wait_indirect_dma semaphore(%arg12 : memref<!tpu.dma_semaphore, #tpu.memory_space<semaphore_mem>>) src(%dma_wait3A_175 : memref<10000x128xf32, #tpu.memory_space<hbm>>) dst(%arg9 : memref<128x128xf32, #tpu.memory_space<vmem>>)
      %dma_wait3A_176 = arith.constant 0 : i32
      %dma_wait3A_177 = tpu.memref_slice %arg8[%add3A_140, %dma_wait3A_176] : memref<40x128xi32, #tpu.memory_space<vmem>> -> memref<1x128xi32, #tpu.memory_space<vmem>>
      %dma_wait3A_178 = tpu.memref_squeeze %dma_wait3A_177 : memref<1x128xi32, #tpu.memory_space<vmem>> -> memref<128xi32, #tpu.memory_space<vmem>>
      %dma_wait3A_179 = arith.constant 0 : i32
      %dma_wait3A_180 = arith.constant 0 : i32
      %dma_wait3A_181 = tpu.memref_slice %arg11[%dma_wait3A_179, %dma_wait3A_180] : memref<10496x128xf32, #tpu.memory_space<vmem_shared>> -> memref<10496x128xf32, #tpu.memory_space<vmem_shared>>
      tpu.wait_indirect_dma semaphore(%arg15 : memref<!tpu.dma_semaphore, #tpu.memory_space<semaphore_mem>>) src(%arg10 : memref<128x128xf32, #tpu.memory_space<vmem>>) dst(%dma_wait3A_181 : memref<10496x128xf32, #tpu.memory_space<vmem_shared>>)
      %add3A_182 = arith.constant 1 : i32
      %add3A_183 = arith.addi %add3A_140, %add3A_182 : i32
      %dma_start3A_184 = arith.constant 0 : i32
      %dma_start3A_185 = tpu.memref_slice %arg8[%add3A_183, %dma_start3A_184] : memref<40x128xi32, #tpu.memory_space<vmem>> -> memref<1x128xi32, #tpu.memory_space<vmem>>
      %dma_start3A_186 = tpu.memref_squeeze %dma_start3A_185 : memref<1x128xi32, #tpu.memory_space<vmem>> -> memref<128xi32, #tpu.memory_space<vmem>>
      %dma_start3A_187 = arith.constant 0 : i32
      %dma_start3A_188 = arith.constant 0 : i32
      %dma_start3A_189 = tpu.memref_slice %arg11[%dma_start3A_187, %dma_start3A_188] : memref<10496x128xf32, #tpu.memory_space<vmem_shared>> -> memref<10496x128xf32, #tpu.memory_space<vmem_shared>>
      tpu.enqueue_indirect_dma source(%arg9 : memref<128x128xf32, #tpu.memory_space<vmem>>) target(%dma_start3A_189 : memref<10496x128xf32, #tpu.memory_space<vmem_shared>>) offsets(%dma_start3A_186 : memref<128xi32, #tpu.memory_space<vmem>>) semaphore(%arg14 : memref<!tpu.dma_semaphore, #tpu.memory_space<semaphore_mem>>) {add = true}
      %add3A_190 = arith.constant 2 : i32
      %add3A_191 = arith.addi %add3A_140, %add3A_190 : i32
      %dma_start3A_192 = arith.constant 0 : i32
      %dma_start3A_193 = tpu.memref_slice %arg7[%add3A_191, %dma_start3A_192] : memref<40x128xi32, #tpu.memory_space<vmem>> -> memref<1x128xi32, #tpu.memory_space<vmem>>
      %dma_start3A_194 = tpu.memref_squeeze %dma_start3A_193 : memref<1x128xi32, #tpu.memory_space<vmem>> -> memref<128xi32, #tpu.memory_space<vmem>>
      %dma_start3A_195 = arith.constant 0 : i32
      %dma_start3A_196 = arith.constant 0 : i32
      %dma_start3A_197 = tpu.memref_slice %arg2[%dma_start3A_195, %dma_start3A_196] : memref<10000x128xf32, #tpu.memory_space<hbm>> -> memref<10000x128xf32, #tpu.memory_space<hbm>>
      tpu.enqueue_indirect_dma source(%dma_start3A_197 : memref<10000x128xf32, #tpu.memory_space<hbm>>) target(%arg10 : memref<128x128xf32, #tpu.memory_space<vmem>>) offsets(%dma_start3A_194 : memref<128xi32, #tpu.memory_space<vmem>>) semaphore(%arg13 : memref<!tpu.dma_semaphore, #tpu.memory_space<semaphore_mem>>)
      %scan3A_198 = arith.constant 0 : i32
      scf.yield %scan3A_198 : i32
    }
    %scan3A_105 = arith.constant 19 : i32
    %dma_wait3A_106 = arith.constant 39 : i32
    %dma_wait3A_107 = arith.constant 0 : i32
    %dma_wait3A_108 = tpu.memref_slice %arg7[%dma_wait3A_106, %dma_wait3A_107] : memref<40x128xi32, #tpu.memory_space<vmem>> -> memref<1x128xi32, #tpu.memory_space<vmem>>
    %dma_wait3A_109 = tpu.memref_squeeze %dma_wait3A_108 : memref<1x128xi32, #tpu.memory_space<vmem>> -> memref<128xi32, #tpu.memory_space<vmem>>
    %dma_wait3A_110 = arith.constant 0 : i32
    %dma_wait3A_111 = arith.constant 0 : i32
    %dma_wait3A_112 = tpu.memref_slice %arg2[%dma_wait3A_110, %dma_wait3A_111] : memref<10000x128xf32, #tpu.memory_space<hbm>> -> memref<10000x128xf32, #tpu.memory_space<hbm>>
    tpu.wait_indirect_dma semaphore(%arg13 : memref<!tpu.dma_semaphore, #tpu.memory_space<semaphore_mem>>) src(%dma_wait3A_112 : memref<10000x128xf32, #tpu.memory_space<hbm>>) dst(%arg10 : memref<128x128xf32, #tpu.memory_space<vmem>>)
    %dma_wait3A_113 = arith.constant 38 : i32
    %dma_wait3A_114 = arith.constant 0 : i32
    %dma_wait3A_115 = tpu.memref_slice %arg8[%dma_wait3A_113, %dma_wait3A_114] : memref<40x128xi32, #tpu.memory_space<vmem>> -> memref<1x128xi32, #tpu.memory_space<vmem>>
    %dma_wait3A_116 = tpu.memref_squeeze %dma_wait3A_115 : memref<1x128xi32, #tpu.memory_space<vmem>> -> memref<128xi32, #tpu.memory_space<vmem>>
    %dma_wait3A_117 = arith.constant 0 : i32
    %dma_wait3A_118 = arith.constant 0 : i32
    %dma_wait3A_119 = tpu.memref_slice %arg11[%dma_wait3A_117, %dma_wait3A_118] : memref<10496x128xf32, #tpu.memory_space<vmem_shared>> -> memref<10496x128xf32, #tpu.memory_space<vmem_shared>>
    tpu.wait_indirect_dma semaphore(%arg14 : memref<!tpu.dma_semaphore, #tpu.memory_space<semaphore_mem>>) src(%arg9 : memref<128x128xf32, #tpu.memory_space<vmem>>) dst(%dma_wait3A_119 : memref<10496x128xf32, #tpu.memory_space<vmem_shared>>)
    %dma_start3A_120 = arith.constant 39 : i32
    %dma_start3A_121 = arith.constant 0 : i32
    %dma_start3A_122 = tpu.memref_slice %arg8[%dma_start3A_120, %dma_start3A_121] : memref<40x128xi32, #tpu.memory_space<vmem>> -> memref<1x128xi32, #tpu.memory_space<vmem>>
    %dma_start3A_123 = tpu.memref_squeeze %dma_start3A_122 : memref<1x128xi32, #tpu.memory_space<vmem>> -> memref<128xi32, #tpu.memory_space<vmem>>
    %dma_start3A_124 = arith.constant 0 : i32
    %dma_start3A_125 = arith.constant 0 : i32
    %dma_start3A_126 = tpu.memref_slice %arg11[%dma_start3A_124, %dma_start3A_125] : memref<10496x128xf32, #tpu.memory_space<vmem_shared>> -> memref<10496x128xf32, #tpu.memory_space<vmem_shared>>
    tpu.enqueue_indirect_dma source(%arg10 : memref<128x128xf32, #tpu.memory_space<vmem>>) target(%dma_start3A_126 : memref<10496x128xf32, #tpu.memory_space<vmem_shared>>) offsets(%dma_start3A_123 : memref<128xi32, #tpu.memory_space<vmem>>) semaphore(%arg15 : memref<!tpu.dma_semaphore, #tpu.memory_space<semaphore_mem>>) {add = true}
    %dma_wait3A_127 = arith.constant 39 : i32
    %dma_wait3A_128 = arith.constant 0 : i32
    %dma_wait3A_129 = tpu.memref_slice %arg8[%dma_wait3A_127, %dma_wait3A_128] : memref<40x128xi32, #tpu.memory_space<vmem>> -> memref<1x128xi32, #tpu.memory_space<vmem>>
    %dma_wait3A_130 = tpu.memref_squeeze %dma_wait3A_129 : memref<1x128xi32, #tpu.memory_space<vmem>> -> memref<128xi32, #tpu.memory_space<vmem>>
    %dma_wait3A_131 = arith.constant 0 : i32
    %dma_wait3A_132 = arith.constant 0 : i32
    %dma_wait3A_133 = tpu.memref_slice %arg11[%dma_wait3A_131, %dma_wait3A_132] : memref<10496x128xf32, #tpu.memory_space<vmem_shared>> -> memref<10496x128xf32, #tpu.memory_space<vmem_shared>>
    tpu.wait_indirect_dma semaphore(%arg15 : memref<!tpu.dma_semaphore, #tpu.memory_space<semaphore_mem>>) src(%arg10 : memref<128x128xf32, #tpu.memory_space<vmem>>) dst(%dma_wait3A_133 : memref<10496x128xf32, #tpu.memory_space<vmem_shared>>)
    %barrier3A_134 = arith.constant 0 : index
    tpu.barrier barrier_id(%barrier3A_134)
    "tpu.region"() ({
      %run_scoped3A = tpu.sem_alloc : memref<!tpu.dma_semaphore, #tpu.memory_space<semaphore_mem>>
      %dma_start3A_135 = arith.constant 0 : i32
      %dma_start3A_136 = tpu.memref_slice %arg6[%arg0, %mul3A_2, %dma_start3A_135] : memref<2x10496x128xf32, #tpu.memory_space<hbm>> -> memref<1x656x128xf32, #tpu.memory_space<hbm>>
      %dma_start3A_137 = tpu.memref_squeeze %dma_start3A_136 : memref<1x656x128xf32, #tpu.memory_space<hbm>> -> memref<656x128xf32, #tpu.memory_space<hbm>>
      %dma_start3A_138 = arith.constant 0 : i32
      %dma_start3A_139 = tpu.memref_slice %arg11[%mul3A_2, %dma_start3A_138] : memref<10496x128xf32, #tpu.memory_space<vmem_shared>> -> memref<656x128xf32, #tpu.memory_space<vmem_shared>>
      tpu.enqueue_dma source(%dma_start3A_139 : memref<656x128xf32, #tpu.memory_space<vmem_shared>>) target(%dma_start3A_137 : memref<656x128xf32, #tpu.memory_space<hbm>>) target_semaphore(%run_scoped3A : memref<!tpu.dma_semaphore, #tpu.memory_space<semaphore_mem>>)
      %dma_wait3A_140 = arith.constant 0 : i32
      %dma_wait3A_141 = tpu.memref_slice %arg6[%arg0, %mul3A_2, %dma_wait3A_140] : memref<2x10496x128xf32, #tpu.memory_space<hbm>> -> memref<1x656x128xf32, #tpu.memory_space<hbm>>
      %dma_wait3A_142 = tpu.memref_squeeze %dma_wait3A_141 : memref<1x656x128xf32, #tpu.memory_space<hbm>> -> memref<656x128xf32, #tpu.memory_space<hbm>>
      %dma_wait3A_143 = arith.constant 0 : i32
      %dma_wait3A_144 = tpu.memref_slice %arg11[%mul3A_2, %dma_wait3A_143] : memref<10496x128xf32, #tpu.memory_space<vmem_shared>> -> memref<656x128xf32, #tpu.memory_space<vmem_shared>>
      tpu.wait_dma2 semaphore(%run_scoped3A : memref<!tpu.dma_semaphore, #tpu.memory_space<semaphore_mem>>) src(%dma_wait3A_144 : memref<656x128xf32, #tpu.memory_space<vmem_shared>>) dst(%dma_wait3A_142 : memref<656x128xf32, #tpu.memory_space<hbm>>)
      tpu.yield
    }) : () -> ()
    return
  }
}

module attributes {stable_mosaic.version = 14 : i64} {
  func.func @_sage_body(%arg0: i32, %arg1: memref<2000x128xf32, #tpu.memory_space<vmem>>, %arg2: memref<2000x128xf32, #tpu.memory_space<vmem>>, %arg3: memref<2000x128xf32, #tpu.memory_space<vmem>>, %arg4: memref<2000x128xf32, #tpu.memory_space<vmem>>, %arg5: memref<2000x128xf32, #tpu.memory_space<vmem>>, %arg6: memref<128x128xf32, #tpu.memory_space<vmem>>, %arg7: memref<128x128xf32, #tpu.memory_space<vmem>>, %arg8: memref<1x128xf32, #tpu.memory_space<vmem>>, %arg9: memref<2000x128xf32, #tpu.memory_space<vmem>>) attributes {dimension_semantics = [#tpu.dimension_semantics<arbitrary>], iteration_bounds = array<i64: 5>, scalar_prefetch = 0 : i64, scratch_operands = 0 : i64, tpu.core_type = #tpu.core_type<tc>, window_params = [{transform_indices = @transform_0, window_bounds = array<i64: 2000, 128>}, {transform_indices = @transform_1, window_bounds = array<i64: 2000, 128>}, {transform_indices = @transform_2, window_bounds = array<i64: 2000, 128>}, {transform_indices = @transform_3, window_bounds = array<i64: 2000, 128>}, {transform_indices = @transform_4, window_bounds = array<i64: 2000, 128>}, {pipeline_mode = #tpu.pipeline_mode<synchronous>, transform_indices = @transform_5, window_bounds = array<i64: 128, 128>}, {pipeline_mode = #tpu.pipeline_mode<synchronous>, transform_indices = @transform_6, window_bounds = array<i64: 128, 128>}, {pipeline_mode = #tpu.pipeline_mode<synchronous>, transform_indices = @transform_7, window_bounds = array<i64: 1, 128>}, {transform_indices = @transform_8, window_bounds = array<i64: 2000, 128>}]} {
    %get3A = arith.constant 0 : index
    %get3A_0 = arith.constant 0 : index
    %get3A_1 = vector.load %arg3[%get3A, %get3A_0] : memref<2000x128xf32, #tpu.memory_space<vmem>>, vector<2000x1xf32>
    %get3A_2 = arith.constant 0 : index
    %get3A_3 = arith.constant 0 : index
    %get3A_4 = vector.load %arg4[%get3A_2, %get3A_3] : memref<2000x128xf32, #tpu.memory_space<vmem>>, vector<2000x1xf32>
    %add3A = arith.addf %get3A_1, %get3A_4 : vector<2000x1xf32>
    %max3A = arith.constant 1.000000e+00 : f32
    %max3A_5 = vector.broadcast %max3A : f32 to vector<2000x1xf32>
    %max3A_6 = arith.maximumf %add3A, %max3A_5 : vector<2000x1xf32>
    %get3A_7 = arith.constant 0 : index
    %get3A_8 = arith.constant 0 : index
    %get3A_9 = vector.load %arg1[%get3A_7, %get3A_8] : memref<2000x128xf32, #tpu.memory_space<vmem>>, vector<2000x128xf32>
    %get3A_10 = arith.constant 0 : index
    %get3A_11 = arith.constant 0 : index
    %get3A_12 = vector.load %arg2[%get3A_10, %get3A_11] : memref<2000x128xf32, #tpu.memory_space<vmem>>, vector<2000x128xf32>
    %add3A_13 = arith.addf %get3A_9, %get3A_12 : vector<2000x128xf32>
    %div3A = vector.broadcast %max3A_6 : vector<2000x1xf32> to vector<2000x128xf32>
    %div3A_14 = arith.divf %add3A_13, %div3A : vector<2000x128xf32>
    %get3A_15 = arith.constant 0 : index
    %get3A_16 = arith.constant 0 : index
    %get3A_17 = vector.load %arg6[%get3A_15, %get3A_16] : memref<128x128xf32, #tpu.memory_space<vmem>>, vector<128x128xf32>
    %dot_general3A = arith.constant dense<0.000000e+00> : vector<2000x128xf32>
    %dot_general3A_18 = tpu.matmul %div3A_14, %get3A_17, %dot_general3A {dimension_numbers = #tpu.dot_dimension_numbers<[1], [0], [0], [1], [0, 0, 1, 1], [], []>, transpose_lhs_hint = false} : vector<2000x128xf32>, vector<128x128xf32>, vector<2000x128xf32> -> vector<2000x128xf32>
    %get3A_19 = arith.constant 0 : index
    %get3A_20 = arith.constant 0 : index
    %get3A_21 = vector.load %arg5[%get3A_19, %get3A_20] : memref<2000x128xf32, #tpu.memory_space<vmem>>, vector<2000x128xf32>
    %get3A_22 = arith.constant 0 : index
    %get3A_23 = arith.constant 0 : index
    %get3A_24 = vector.load %arg7[%get3A_22, %get3A_23] : memref<128x128xf32, #tpu.memory_space<vmem>>, vector<128x128xf32>
    %dot_general3A_25 = arith.constant dense<0.000000e+00> : vector<2000x128xf32>
    %dot_general3A_26 = tpu.matmul %get3A_21, %get3A_24, %dot_general3A_25 {dimension_numbers = #tpu.dot_dimension_numbers<[1], [0], [0], [1], [0, 0, 1, 1], [], []>, transpose_lhs_hint = false} : vector<2000x128xf32>, vector<128x128xf32>, vector<2000x128xf32> -> vector<2000x128xf32>
    %add3A_27 = arith.addf %dot_general3A_18, %dot_general3A_26 : vector<2000x128xf32>
    %get3A_28 = arith.constant 0 : index
    %get3A_29 = arith.constant 0 : index
    %get3A_30 = vector.load %arg8[%get3A_28, %get3A_29] : memref<1x128xf32, #tpu.memory_space<vmem>>, vector<1x128xf32>
    %add3A_31 = vector.broadcast %get3A_30 : vector<1x128xf32> to vector<2000x128xf32>
    %add3A_32 = arith.addf %add3A_27, %add3A_31 : vector<2000x128xf32>
    %max3A_33 = arith.constant 0.000000e+00 : f32
    %max3A_34 = vector.broadcast %max3A_33 : f32 to vector<2000x128xf32>
    %max3A_35 = arith.maximumf %add3A_32, %max3A_34 : vector<2000x128xf32>
    %swap3A = arith.constant 0 : index
    %swap3A_36 = arith.constant 0 : index
    %swap3A_37 = vector.load %arg9[%swap3A, %swap3A_36] : memref<2000x128xf32, #tpu.memory_space<vmem>>, vector<2000x128xf32>
    tpu.vector_store %arg9[%swap3A, %swap3A_36], %max3A_35 {strides = array<i32>} : memref<2000x128xf32, #tpu.memory_space<vmem>>, vector<2000x128xf32>,
    return
  }
  func.func @transform_0(%arg0: i32) -> (i32, i32) {
    %c0_i32 = arith.constant 0 : i32
    %c0_i32_0 = arith.constant 0 : i32
    return %arg0, %c0_i32 : i32, i32
  }
  func.func @transform_1(%arg0: i32) -> (i32, i32) {
    %c0_i32 = arith.constant 0 : i32
    %c0_i32_0 = arith.constant 0 : i32
    return %arg0, %c0_i32 : i32, i32
  }
  func.func @transform_2(%arg0: i32) -> (i32, i32) {
    %c0_i32 = arith.constant 0 : i32
    %c0_i32_0 = arith.constant 0 : i32
    return %arg0, %c0_i32 : i32, i32
  }
  func.func @transform_3(%arg0: i32) -> (i32, i32) {
    %c0_i32 = arith.constant 0 : i32
    %c0_i32_0 = arith.constant 0 : i32
    return %arg0, %c0_i32 : i32, i32
  }
  func.func @transform_4(%arg0: i32) -> (i32, i32) {
    %c0_i32 = arith.constant 0 : i32
    %c0_i32_0 = arith.constant 0 : i32
    return %arg0, %c0_i32 : i32, i32
  }
  func.func @transform_5(%arg0: i32) -> (i32, i32) {
    %c0_i32 = arith.constant 0 : i32
    %c0_i32_0 = arith.constant 0 : i32
    %c0_i32_1 = arith.constant 0 : i32
    return %c0_i32, %c0_i32_0 : i32, i32
  }
  func.func @transform_6(%arg0: i32) -> (i32, i32) {
    %c0_i32 = arith.constant 0 : i32
    %c0_i32_0 = arith.constant 0 : i32
    %c0_i32_1 = arith.constant 0 : i32
    return %c0_i32, %c0_i32_0 : i32, i32
  }
  func.func @transform_7(%arg0: i32) -> (i32, i32) {
    %c0_i32 = arith.constant 0 : i32
    %c0_i32_0 = arith.constant 0 : i32
    %c0_i32_1 = arith.constant 0 : i32
    return %c0_i32, %c0_i32_0 : i32, i32
  }
  func.func @transform_8(%arg0: i32) -> (i32, i32) {
    %c0_i32 = arith.constant 0 : i32
    %c0_i32_0 = arith.constant 0 : i32
    return %arg0, %c0_i32 : i32, i32
  }
}

module attributes {stable_mosaic.version = 14 : i64} {
  func.func @_final_body(%arg0: i32, %arg1: memref<2000x128xf32, #tpu.memory_space<vmem>>, %arg2: memref<2000x128xf32, #tpu.memory_space<vmem>>, %arg3: memref<2000x128xf32, #tpu.memory_space<vmem>>, %arg4: memref<2000x128xf32, #tpu.memory_space<vmem>>, %arg5: memref<2000x128xf32, #tpu.memory_space<vmem>>, %arg6: memref<128x128xf32, #tpu.memory_space<vmem>>, %arg7: memref<128x128xf32, #tpu.memory_space<vmem>>, %arg8: memref<1x128xf32, #tpu.memory_space<vmem>>, %arg9: memref<128x64xf32, #tpu.memory_space<vmem>>, %arg10: memref<1x64xf32, #tpu.memory_space<vmem>>, %arg11: memref<2000x64xf32, #tpu.memory_space<vmem>>) attributes {dimension_semantics = [#tpu.dimension_semantics<arbitrary>], iteration_bounds = array<i64: 5>, scalar_prefetch = 0 : i64, scratch_operands = 0 : i64, tpu.core_type = #tpu.core_type<tc>, window_params = [{transform_indices = @transform_0, window_bounds = array<i64: 2000, 128>}, {transform_indices = @transform_1, window_bounds = array<i64: 2000, 128>}, {transform_indices = @transform_2, window_bounds = array<i64: 2000, 128>}, {transform_indices = @transform_3, window_bounds = array<i64: 2000, 128>}, {transform_indices = @transform_4, window_bounds = array<i64: 2000, 128>}, {pipeline_mode = #tpu.pipeline_mode<synchronous>, transform_indices = @transform_5, window_bounds = array<i64: 128, 128>}, {pipeline_mode = #tpu.pipeline_mode<synchronous>, transform_indices = @transform_6, window_bounds = array<i64: 128, 128>}, {pipeline_mode = #tpu.pipeline_mode<synchronous>, transform_indices = @transform_7, window_bounds = array<i64: 1, 128>}, {pipeline_mode = #tpu.pipeline_mode<synchronous>, transform_indices = @transform_8, window_bounds = array<i64: 128, 64>}, {pipeline_mode = #tpu.pipeline_mode<synchronous>, transform_indices = @transform_9, window_bounds = array<i64: 1, 64>}, {transform_indices = @transform_10, window_bounds = array<i64: 2000, 64>}]} {
    %get3A = arith.constant 0 : index
    %get3A_0 = arith.constant 0 : index
    %get3A_1 = vector.load %arg3[%get3A, %get3A_0] : memref<2000x128xf32, #tpu.memory_space<vmem>>, vector<2000x1xf32>
    %get3A_2 = arith.constant 0 : index
    %get3A_3 = arith.constant 0 : index
    %get3A_4 = vector.load %arg4[%get3A_2, %get3A_3] : memref<2000x128xf32, #tpu.memory_space<vmem>>, vector<2000x1xf32>
    %add3A = arith.addf %get3A_1, %get3A_4 : vector<2000x1xf32>
    %max3A = arith.constant 1.000000e+00 : f32
    %max3A_5 = vector.broadcast %max3A : f32 to vector<2000x1xf32>
    %max3A_6 = arith.maximumf %add3A, %max3A_5 : vector<2000x1xf32>
    %get3A_7 = arith.constant 0 : index
    %get3A_8 = arith.constant 0 : index
    %get3A_9 = vector.load %arg1[%get3A_7, %get3A_8] : memref<2000x128xf32, #tpu.memory_space<vmem>>, vector<2000x128xf32>
    %get3A_10 = arith.constant 0 : index
    %get3A_11 = arith.constant 0 : index
    %get3A_12 = vector.load %arg2[%get3A_10, %get3A_11] : memref<2000x128xf32, #tpu.memory_space<vmem>>, vector<2000x128xf32>
    %add3A_13 = arith.addf %get3A_9, %get3A_12 : vector<2000x128xf32>
    %div3A = vector.broadcast %max3A_6 : vector<2000x1xf32> to vector<2000x128xf32>
    %div3A_14 = arith.divf %add3A_13, %div3A : vector<2000x128xf32>
    %get3A_15 = arith.constant 0 : index
    %get3A_16 = arith.constant 0 : index
    %get3A_17 = vector.load %arg6[%get3A_15, %get3A_16] : memref<128x128xf32, #tpu.memory_space<vmem>>, vector<128x128xf32>
    %dot_general3A = arith.constant dense<0.000000e+00> : vector<2000x128xf32>
    %dot_general3A_18 = tpu.matmul %div3A_14, %get3A_17, %dot_general3A {dimension_numbers = #tpu.dot_dimension_numbers<[1], [0], [0], [1], [0, 0, 1, 1], [], []>, transpose_lhs_hint = false} : vector<2000x128xf32>, vector<128x128xf32>, vector<2000x128xf32> -> vector<2000x128xf32>
    %get3A_19 = arith.constant 0 : index
    %get3A_20 = arith.constant 0 : index
    %get3A_21 = vector.load %arg5[%get3A_19, %get3A_20] : memref<2000x128xf32, #tpu.memory_space<vmem>>, vector<2000x128xf32>
    %get3A_22 = arith.constant 0 : index
    %get3A_23 = arith.constant 0 : index
    %get3A_24 = vector.load %arg7[%get3A_22, %get3A_23] : memref<128x128xf32, #tpu.memory_space<vmem>>, vector<128x128xf32>
    %dot_general3A_25 = arith.constant dense<0.000000e+00> : vector<2000x128xf32>
    %dot_general3A_26 = tpu.matmul %get3A_21, %get3A_24, %dot_general3A_25 {dimension_numbers = #tpu.dot_dimension_numbers<[1], [0], [0], [1], [0, 0, 1, 1], [], []>, transpose_lhs_hint = false} : vector<2000x128xf32>, vector<128x128xf32>, vector<2000x128xf32> -> vector<2000x128xf32>
    %add3A_27 = arith.addf %dot_general3A_18, %dot_general3A_26 : vector<2000x128xf32>
    %get3A_28 = arith.constant 0 : index
    %get3A_29 = arith.constant 0 : index
    %get3A_30 = vector.load %arg8[%get3A_28, %get3A_29] : memref<1x128xf32, #tpu.memory_space<vmem>>, vector<1x128xf32>
    %add3A_31 = vector.broadcast %get3A_30 : vector<1x128xf32> to vector<2000x128xf32>
    %add3A_32 = arith.addf %add3A_27, %add3A_31 : vector<2000x128xf32>
    %max3A_33 = arith.constant 0.000000e+00 : f32
    %max3A_34 = vector.broadcast %max3A_33 : f32 to vector<2000x128xf32>
    %max3A_35 = arith.maximumf %add3A_32, %max3A_34 : vector<2000x128xf32>
    %get3A_36 = arith.constant 0 : index
    %get3A_37 = arith.constant 0 : index
    %get3A_38 = vector.load %arg9[%get3A_36, %get3A_37] : memref<128x64xf32, #tpu.memory_space<vmem>>, vector<128x64xf32>
    %dot_general3A_39 = arith.constant dense<0.000000e+00> : vector<2000x64xf32>
    %dot_general3A_40 = tpu.matmul %max3A_35, %get3A_38, %dot_general3A_39 {dimension_numbers = #tpu.dot_dimension_numbers<[1], [0], [0], [1], [0, 0, 1, 1], [], []>, transpose_lhs_hint = false} : vector<2000x128xf32>, vector<128x64xf32>, vector<2000x64xf32> -> vector<2000x64xf32>
    %get3A_41 = arith.constant 0 : index
    %get3A_42 = arith.constant 0 : index
    %get3A_43 = vector.load %arg10[%get3A_41, %get3A_42] : memref<1x64xf32, #tpu.memory_space<vmem>>, vector<1x64xf32>
    %add3A_44 = vector.broadcast %get3A_43 : vector<1x64xf32> to vector<2000x64xf32>
    %add3A_45 = arith.addf %dot_general3A_40, %add3A_44 : vector<2000x64xf32>
    %swap3A = arith.constant 0 : index
    %swap3A_46 = arith.constant 0 : index
    %swap3A_47 = vector.load %arg11[%swap3A, %swap3A_46] : memref<2000x64xf32, #tpu.memory_space<vmem>>, vector<2000x64xf32>
    tpu.vector_store %arg11[%swap3A, %swap3A_46], %add3A_45 {strides = array<i32>} : memref<2000x64xf32, #tpu.memory_space<vmem>>, vector<2000x64xf32>,
    return
  }
  func.func @transform_0(%arg0: i32) -> (i32, i32) {
    %c0_i32 = arith.constant 0 : i32
    %c0_i32_0 = arith.constant 0 : i32
    return %arg0, %c0_i32 : i32, i32
  }
  func.func @transform_1(%arg0: i32) -> (i32, i32) {
    %c0_i32 = arith.constant 0 : i32
    %c0_i32_0 = arith.constant 0 : i32
    return %arg0, %c0_i32 : i32, i32
  }
  func.func @transform_2(%arg0: i32) -> (i32, i32) {
    %c0_i32 = arith.constant 0 : i32
    %c0_i32_0 = arith.constant 0 : i32
    return %arg0, %c0_i32 : i32, i32
  }
  func.func @transform_3(%arg0: i32) -> (i32, i32) {
    %c0_i32 = arith.constant 0 : i32
    %c0_i32_0 = arith.constant 0 : i32
    return %arg0, %c0_i32 : i32, i32
  }
  func.func @transform_4(%arg0: i32) -> (i32, i32) {
    %c0_i32 = arith.constant 0 : i32
    %c0_i32_0 = arith.constant 0 : i32
    return %arg0, %c0_i32 : i32, i32
  }
  func.func @transform_5(%arg0: i32) -> (i32, i32) {
    %c0_i32 = arith.constant 0 : i32
    %c0_i32_0 = arith.constant 0 : i32
    %c0_i32_1 = arith.constant 0 : i32
    return %c0_i32, %c0_i32_0 : i32, i32
  }
  func.func @transform_6(%arg0: i32) -> (i32, i32) {
    %c0_i32 = arith.constant 0 : i32
    %c0_i32_0 = arith.constant 0 : i32
    %c0_i32_1 = arith.constant 0 : i32
    return %c0_i32, %c0_i32_0 : i32, i32
  }
  func.func @transform_7(%arg0: i32) -> (i32, i32) {
    %c0_i32 = arith.constant 0 : i32
    %c0_i32_0 = arith.constant 0 : i32
    %c0_i32_1 = arith.constant 0 : i32
    return %c0_i32, %c0_i32_0 : i32, i32
  }
  func.func @transform_8(%arg0: i32) -> (i32, i32) {
    %c0_i32 = arith.constant 0 : i32
    %c0_i32_0 = arith.constant 0 : i32
    %c0_i32_1 = arith.constant 0 : i32
    return %c0_i32, %c0_i32_0 : i32, i32
  }
  func.func @transform_9(%arg0: i32) -> (i32, i32) {
    %c0_i32 = arith.constant 0 : i32
    %c0_i32_0 = arith.constant 0 : i32
    %c0_i32_1 = arith.constant 0 : i32
    return %c0_i32, %c0_i32_0 : i32, i32
  }
  func.func @transform_10(%arg0: i32) -> (i32, i32) {
    %c0_i32 = arith.constant 0 : i32
    %c0_i32_0 = arith.constant 0 : i32
    return %arg0, %c0_i32 : i32, i32
  }
}

</mosaic_0001>

<sc_bundles>
// kernel: kernel.10.cloned.1.call-start
scs
__scs_entry_jumppad:
0x0: {  	(pc) =	sbr.rel $0x88, $3  }
0x1: {  	(tag) =	ssettag $0x0;
	lr =	simm.s32 $0x1  }
0x2: {  	[smem:$0x3F97] =	sst lr;
	_ =	strace $0xD0000000  }
0x3: {  	_ = 	snop  }
0x4: {  	_ = 	snop  }
0x5: {  	_ = 	snop  }
0x6: {  	_ = 	snop  }
0x7: {  	_ = 	snop  }
__scs_overlays_trampoline_lowered:
0x8: {  	[smem:$0x3FA6] =	sst s0  }
0x9: {  	[smem:$0x3FA7] =	sst s1  }
0xa: {  	[smem:$0x3FA8] =	sst s2  }
0xb: {  	[smem:$0x3FA9] =	sst s3  }
0xc: {  	[smem:$0x3FAA] =	sst s4  }
0xd: {  	[smem:$0x3FAB] =	sst s5  }
0xe: {  	[smem:$0x3FAC] =	sst s6  }
0xf: {  	[smem:$0x3FAD] =	sst s7  }
0x10: {  	[smem:$0x3FAE] =	sst s8  }
0x11: {  	[smem:$0x3FAF] =	sst s9;
	s0 =	simm.s32 @!p0 $0x0  }
0x12: {  	s1 =	sld [smem:$0x3F95];
	s0 =	simm.s32 @p0 $0x1  }
0x13: {  	[smem:$0x3FB0] =	sst s0;
	s0 =	simm.s32 @!p1 $0x0  }
0x14: {  	s2 =	sld [smem:$0x3F94];
	s0 =	simm.s32 @p1 $0x1  }
0x15: {  	[smem:$0x3FB1] =	sst s0;
	s0 =	simm.s32 @!p2 $0x0  }
0x16: {  	s3 =	sld [smem:$0x3FDB];
	s0 =	simm.s32 @p2 $0x1  }
0x17: {  	s4 =	simm.s32 $0x1BF5;
	[smem:$0x3FB3] =	sst s0  }
0x18: {  	s0 =	sld [smem:$0x3F96];
	_ =	swait.ge [sflag:s4], $0x0  }
0x19: {  	s7 =	sld [smem:$0x3F97]  }
0x1a: {  	s8 =	sadd.s32 $0xFFFFE003, lr  }
0x1b: {  	s9 =	sadd.s32 $0xFFFFFEF7, lr;
	s5 =	simm.s32 $0xFFFFFFFF;
	p2 =	slt.u32 s8, $0xFFFFF086  }
0x1c: {  	p1 =	slt.u32 s9, $0xF7A;
	s5 =	simm.s32 @!p2 $0x0  }
0x1d: {  	s5 =	simm.s32 @p1 $0x1;
	p0 =	seq.s32 s7, s2  }
0x1e: {  	s7 =	smul.u32 @!p0 $0xF7A, s2;
	p2 =	seq.s32 @!p0 s5, $0x0  }
0x1f: {  	s9 =	smul.u32 $0xF7A, s1;
	s8 =	simm.s32 @!p0 $0x1BF5;
	p2 =	por !p2, p0  }
0x20: {  	[sflag:s8] =	ssyncset.s32 @!p0 $0xFFFFF086;
	s6 =	sadd.s32 @!p0 s3, s7;
	s7 =	simm.s32 @!p0 $0x108  }
0x21: {  	s3 =	sadd.s32 s3, s9;
	s6 =	sadd.s32 @!p0 $0x88, s6;
	s7 =	simm.s32 @p2 $0x1082  }
0x22: {  	[simem:s7], [sflag:s8] =	dma.local @!p0 [hbm:s6], $0xF7A  }
0x23: {  	s9 =	sor.u32 $0xD0000000, s2;
	s6 =	simm.s32 $0x108;
	_ =	swait.ge @!p0 [sflag:s8], $0x0  }
0x24: {  	s3 =	sadd.s32 $0x88, s3;
	s6 =	simm.s32 @!p1 $0x1082;
	[sflag:s4] =	ssyncset.s32 $0xFFFFF086  }
0x25: {  	[simem:s6], [sflag:s4] =	dma.local [hbm:s3], $0xF7A  }
0x26: {  	[smem:$0x3F97] =	sst s1;
	(tag) =	ssettag s2;
	_ =	strace s9  }
0x27: {  	s1 =	sld [smem:$0x3FA7]  }
0x28: {  	s2 =	sld [smem:$0x3FA8]  }
0x29: {  	s4 =	sld [smem:$0x3FAA]  }
0x2a: {  	p0 =	seq.s32 s5, $0x0;
	s5 =	sld [smem:$0x3FAB]  }
0x2b: {  	s6 =	sld [smem:$0x3FAC]  }
0x2c: {  	s7 =	sld [smem:$0x3FAD]  }
0x2d: {  	s3 =	simm.s32 $0x108;
	s8 =	sld [smem:$0x3FAE]  }
0x2e: {  	s3 =	simm.s32 @!p0 $0x1082;
	s9 =	sld [smem:$0x3FAF]  }
0x2f: {  	lr =	sadd.s32 s0, s3;
	s0 =	sld [smem:$0x3FA6]  }
0x30: {  	s3 =	sld [smem:$0x3FA9]  }
0x31: {  	[smem:$0x3FB2] =	sst s10  }
0x32: {  	s10 =	sld [smem:$0x3FB0];
	_ =	sdelay $0x3  }
0x33: {  	p0 =	seq.s32 s10, $0x1;
	s10 =	sld [smem:$0x3FB2];
	_ =	sdelay $0x3  }
0x34: {  	[smem:$0x3FB2] =	sst s10  }
0x35: {  	s10 =	sld [smem:$0x3FB1];
	_ =	sdelay $0x3  }
0x36: {  	p1 =	seq.s32 s10, $0x1;
	s10 =	sld [smem:$0x3FB2];
	_ =	sdelay $0x3  }
0x37: {  	[smem:$0x3FB2] =	sst s10  }
0x38: {  	s10 =	sld [smem:$0x3FB3]  }
0x39: {  	_ = 	snop;
	(pc) =	sbr.ind lr, $3  }
0x3a: {  	_ = 	snop  }
0x3b: {  	_ = 	snop  }
0x3c: {  	p2 =	seq.s32 s10, $0x1;
	s10 =	sld [smem:$0x3FB2]  }
0x3d: {  	_ =	shalt  }
0x3e: {  	_ =	shalt  }
0x3f: {  	_ =	shalt  }
0x40: {  	_ =	shalt  }
0x41: {  	_ =	shalt  }
0x42: {  	_ =	shalt  }
0x43: {  	_ =	shalt  }
0x44: {  	_ =	shalt  }
0x45: {  	_ =	shalt  }
0x46: {  	_ =	shalt  }
0x47: {  	_ =	shalt  }
0x48: {  	_ =	shalt  }
0x49: {  	_ =	shalt  }
0x4a: {  	_ =	shalt  }
0x4b: {  	_ =	shalt  }
0x4c: {  	_ =	shalt  }
0x4d: {  	_ =	shalt  }
0x4e: {  	_ =	shalt  }
0x4f: {  	_ =	shalt  }
0x50: {  	_ =	shalt  }
0x51: {  	_ =	shalt  }
0x52: {  	_ =	shalt  }
0x53: {  	_ =	shalt  }
0x54: {  	_ =	shalt  }
0x55: {  	_ =	shalt  }
0x56: {  	_ =	shalt  }
0x57: {  	_ =	shalt  }
0x58: {  	_ =	shalt  }
0x59: {  	_ =	shalt  }
0x5a: {  	_ =	shalt  }
0x5b: {  	_ =	shalt  }
0x5c: {  	_ =	shalt  }
0x5d: {  	_ =	shalt  }
0x5e: {  	_ =	shalt  }
0x5f: {  	_ =	shalt  }
0x60: {  	_ =	shalt  }
0x61: {  	_ =	shalt  }
0x62: {  	_ =	shalt  }
0x63: {  	_ =	shalt  }
0x64: {  	_ =	shalt  }
0x65: {  	_ =	shalt  }
0x66: {  	_ =	shalt  }
0x67: {  	_ =	shalt  }
0x68: {  	_ =	shalt  }
0x69: {  	_ =	shalt  }
0x6a: {  	_ =	shalt  }
0x6b: {  	_ =	shalt  }
0x6c: {  	_ =	shalt  }
0x6d: {  	_ =	shalt  }
0x6e: {  	_ =	shalt  }
0x6f: {  	_ =	shalt  }
0x70: {  	_ =	shalt  }
0x71: {  	_ =	shalt  }
0x72: {  	_ =	shalt  }
0x73: {  	_ =	shalt  }
0x74: {  	_ =	shalt  }
0x75: {  	_ =	shalt  }
0x76: {  	_ =	shalt  }
0x77: {  	_ =	shalt  }
0x78: {  	_ =	shalt  }
0x79: {  	_ =	shalt  }
0x7a: {  	_ =	shalt  }
0x7b: {  	_ =	shalt  }
0x7c: {  	_ =	shalt  }
0x7d: {  	_ =	shalt  }
0x7e: {  	_ =	shalt  }
0x7f: {  	_ =	shalt  }
0x80: {  	_ =	shalt  }
0x81: {  	_ =	shalt  }
0x82: {  	_ =	shalt  }
0x83: {  	_ =	shalt  }
0x84: {  	_ =	shalt  }
0x85: {  	_ =	shalt  }
0x86: {  	_ =	shalt  }
0x87: {  	_ =	shalt  }
.Lfunc_end0:
.L_simem_size_0:
called_computation.1_lowered:
.L_overlay_start_0:
0x88: {  	s2 =	sld [smem:$0x3FD9]  }
0x89: {  	s3 =	sld [smem:$0x3FFE];
	_ =	sdelay $0x1  }
0x8a: {  	s1 =	srdreg.scid  }
0x8b: {  	s0 =	sand.u32 $0x1, s1  }
0x8c: {  	s17 =	sshll.u32 s0, $0xA;
	s2 =	sadd.s32 s3, s2  }
0x8d: {  	s2 =	sadd.s32 s2, s17  }
0x8e: {  	[smem:$0x3FBE] =	sst s2  }
0x8f: {  	_ = 	snop  }
0x90: {  	s2 =	sld [smem:$0x3FC9]  }
0x91: {  	s18 =	sld [smem:$0x3FD0];
	(tm) =	ssettm $0x1  }
0x92: {  	s4 =	sld [smem:$0x3FFB];
	_ =	sdelay $0x3  }
0x93: {  	_ =	strace s4  }
0x94: {  	s4 =	sld [smem:$0x3FFC];
	_ =	sdelay $0x3  }
0x95: {  	_ =	strace s4  }
0x96: {  	s4 =	sld [smem:$0x3FFD];
	_ =	sdelay $0x3  }
0x97: {  	_ =	strace s4  }
0x98: {  	_ =	strace $0x8FFFFFFF  }
0x99: {  	s19 =	sld [smem:$0x3FDB];
	_ =	sdelay $0x1  }
0x9a: {  	s5 =	simm.s32 $_scs_section_size  }
0x9b: {  	s6 =	simm.s32 $_size__tile_overlayer_lowered;
	s7 =	simm.s32 $_tile_overlayer_lowered  }
0x9c: {  	s22 =	simm.s32 $0x1BFF;
	s21 =	sshll.u32 s7, $0x1;
	s4 =	sadd.s32 s5, s19  }
0x9d: {  	s8 =	simm.s32 $0x0;
	s20 =	sshll.u32 s6, $0x1;
	s6 =	sadd.s32 s21, s4  }
0x9e: {  	[timem:s8], [sflag:s22] =	dma.local [hbm:s6], s20  }
0x9f: {  	_ =	swait.ge [sflag:s22], s20  }
0xa0: {  	s5 =	ssub.s32 $0x0, s20;
	[sflag:s22] =	ssyncset.done $0x0  }
0xa1: {  	[sflag:s22] =	ssyncadd.s32 s5;
	_ =	sdelay $0x1  }
0xa2: {  	s23 =	simm.s32 $0x1B8B  }
0xa3: {  	_ =	swait.ge [sflag:s23], $0x1  }
0xa4: {  	[sflag:s23] =	ssyncset.done $0x0  }
0xa5: {  	s25 =	simm.s32 $0x1B8E;
	s24 =	sld [smem:$0x3FFE];
	[sflag:s23] =	ssyncadd.s32 $0xFFFFFFFF  }
0xa6: {  	s26 =	simm.s32 $execute0_lowered;
	[smem:$0x3FD2] =	sst s25  }
0xa7: {  	s6 =	sshll.u32 s26, $0x1;
	_ =	strace $0x80000046;
	[dreg:$0x1] =	wrdreg $0xFFFFFFFF  }
0xa8: {  	s28 =	simm.s32 $_size_execute0_lowered;
	s4 =	sadd.s32 s4, s6;
	[dreg:$0x0] =	wrdreg $0x0  }
0xa9: {  	s6 =	sshll.u32 s28, $0x1;
	[dreg:$0x2] =	wrdreg s4  }
0xaa: {  	[dreg:$0x3] =	wrdreg s6  }
0xab: {  	[dreg:$0x4] =	wrdreg $0xC0  }
0xac: {  	_ =	task [dreg:s8], $0x5FFFF  }
0xad: {  	[dreg:$0x1] =	wrdreg $0xFFFFFFFF  }
0xae: {  	[dreg:$0x0] =	wrdreg $0x60  }
0xaf: {  	[dreg:$0x2] =	wrdreg s2  }
0xb0: {  	[dreg:$0x3] =	wrdreg s24  }
0xb1: {  	[dreg:$0x4] =	wrdreg s18  }
0xb2: {  	[dreg:$0x5] =	wrdreg $0xA8000  }
0xb3: {  	[dreg:$0x6] =	wrdreg $0xA  }
0xb4: {  	_ =	task.clear_ibuf [dreg:s8], $0x7FFFF;
	_ =	strace $0x90000046  }
0xb5: {  	s29 =	simm.s32 $0xA;
	_ =	strace $0x80000048  }
0xb6: {  	_ =	swait.ge [sflag:s29], $0x1  }
0xb7: {  	[sflag:s29] =	ssyncadd.s32 $0xFFFFFFFF  }
0xb8: {  	_ =	strace $0x90000048  }
0xb9: {  	_ =	sfence  }
0xba: {  	s30 =	sld [smem:$0x0];
	_ =	sdelay $0x2  }
0xbb: {  	s31 =	sshll.u32 s1, $0xD;
	s1 =	sshrl.u32 s1, $0x2  }
0xbc: {  	s3 =	sand.u32 $0x4000, s31;
	s1 =	sadd.s32 s1, s30  }
0xbd: {  	s0 =	sor.u32 s3, s0;
	s1 =	sshll.u32 s1, $0x11  }
0xbe: {  	s0 =	sor.u32 s1, s0  }
0xbf: {  	s0 =	sadd.s32 $0x8F2B, s0  }
0xc0: {  	[sflag:s0] =	ssyncadd.remote.s32 $0x1  }
0xc1: {  	_ =	sfence.sel $0xFFFF  }
0xc2: {  	[dreg:$0x0] =	wrdreg $0xFFFFFFFF;
	(pc) =	sbr.abs _section_cstart, $3  }
0xc3: {  	[dreg:$0x1] =	wrdreg $0xFFFFFFFF  }
0xc4: {  	_ =	task.clear_ibuf [dreg:s8], $0x2FFFF;
	_ =	strace $0x9FFFFFFF  }
0xc5: {  	(tm) =	ssettm $0x7FFFFFFF  }
tec
execute0_lowered:
.L_overlay_start_1:
0x0: {  	(tag) =	ssettag $0x1  }
0x1: {  	s1 =	rddreg [dreg:$0x0]  }
0x2: {  	s6 =	rddreg [dreg:$0x1]  }
0x3: {  	s10 =	rddreg [dreg:$0x2]  }
0x4: {  	s2 =	rddreg [dreg:$0x3];
	s3 =	srdreg.scid  }
0x5: {  	s0 =	rddreg [dreg:$0x4];
	s4 =	simm.s32 $0x0;
	s16 =	simm.s32 $0x80  }
0x6: {  	s17 =	simm.s32 $0x2800;
	s18 =	simm.s32 $0x1;
	s19 =	simm.s32 $0x6800  }
0x7: {  	s20 =	simm.s32 $0x2;
	s21 =	simm.s32 $0x3;
	s22 =	simm.s32 $0x4  }
0x8: {  	s23 =	simm.s32 $0x2780;
	s7 =	sand.u32 $0x1, s3;
	s3 =	stileid.u32  }
0x9: {  	[smem:$0x7FF] =	sst s4;
	s11 =	sadd.s32 $0x2A00, s6;
	s8 =	smul.u32 $0x148000, s7  }
0xa: {  	s5 =	sadd.s32 $0xCA00, s6;
	s9 =	smul.u32 $0x14800, s3;
	_ =	strace $0x80000047  }
0xb: {  	s24 =	sshll.u32 s3, $0x1;
	s12 =	ssub.s32 $0x2, s7;
	s25 =	smul.u32 $0x52000, s3  }
0xc: {  	s28 =	sshll.u32 s3, $0x6;
	s7 =	sor.u32 s7, s24;
	s13 =	sshrl.u32 s12, $0x1  }
0xd: {  	s24 =	simm.s32 $0x0;
	s8 =	sadd.s32 s9, s8;
	s14 =	smul.u32 $0x2800, s7  }
0xe: {  	s12 =	ssub.s32 s12, s13;
	s26 =	sshrl.u32 s25, $0x2;
	s29 =	smul.u32 $0x500, s7  }
0xf: {  	s8 =	sshrl.u32 s8, $0x3;
	s31 =	sadd.s32 s26, s2;
	s12 =	smax.u32 s12, $0x1  }
0x10: {  	s15 =	sadd.s32 s8, s6;
	s30 =	sshrl.u32 s14, $0x3;
	s6 =	sor.u32 $0x1C05, s28  }
0x11: {  	s7 =	sadd.s32 s11, s29;
	s8 =	sadd.s32 s10, s29;
	s14 =	sadd.s32 $0x280, s30  }
0x12: {  	s13 =	sshrl.u32 s31, $0x3;
	s9 =	sadd.s32 s11, s14;
	s10 =	sadd.s32 s10, s14  }
0x13: {  	s11 =	sadd.s32 $0xF400, s15;
	s14 =	simm.s32 $0x5;
	s15 =	simm.s32 $0x1400  }
.LBB2_1:
0x14: {  	[spmem:s13], [sflag:s6] =	dma.local [hbm:s5], $0x2900  }
0x15: {  	_ =	swait.ge [sflag:s14], $0x2900  }
0x16: {  	[sflag:s14] =	ssyncset.done $0x0  }
0x17: {  	[sflag:s14] =	ssyncadd.s32 $0xFFFFD700  }
0x18: {  	[bflag:$0x0] =	sbarrier.arrive $0xFFFF  }
0x19: {  	[tilespmem:s4], [sflag:$0x5] =	stream.linear.gather [hbm4b:s7+s4], $0x1400, $0x38;
	[tilespmem:$0x1F000] =	vst v63  }
0x1a: {  	_ =	swait.ge [sflag:s14], $0x1400  }
0x1b: {  	[sflag:s14] =	ssyncset.done $0x0  }
0x1c: {  	[sflag:s14] =	ssyncadd.s32 $0xFFFFEC00  }
0x1d: {  	[tilespmem:s15], [sflag:$0x5] =	stream.linear.gather [hbm4b:s8+s4], $0x1400, $0x38;
	[tilespmem:$0x1F000] =	vst v63  }
0x1e: {  	_ =	swait.ge [sflag:s14], $0x1400  }
0x1f: {  	[sflag:s14] =	ssyncset.done $0x0  }
0x20: {  	[sflag:s14] =	ssyncadd.s32 $0xFFFFEC00  }
0x21: {  	[tilespmem:s17], [sflag:$0x1] =	stream.indirect.gather [hbm4b:s1+s16], $0x80, s4, s16, $0xb8;
	[tilespmem:$0x1F000] =	vst v63  }
0x22: {  	_ =	swait.ge [sflag:s18], $0x4000  }
0x23: {  	[sflag:s18] =	ssyncset.done $0x0  }
0x24: {  	[sflag:s18] =	ssyncadd.s32 $0xFFFFC000  }
0x25: {  	[spmem:s2] =	stream.indirect.scatter.add.f32 [tilespmem:s17], [sflag:$0x3], $0x80, s15, s16, $0xb8;
	[tilespmem:$0x1F000] =	vst v63  }
0x26: {  	_ = 	snop  }
0x27: {  	[tilespmem:s19], [sflag:$0x2] =	stream.indirect.gather [hbm4b:s1+s16], $0x80, s16, s16, $0xb8;
	[tilespmem:$0x1F000] =	vst v63  }
0x28: {  	_ =	swait.ge [sflag:s20], $0x4000  }
0x29: {  	[sflag:s20] =	ssyncset.done $0x0  }
0x2a: {  	[sflag:s20] =	ssyncadd.s32 $0xFFFFC000  }
0x2b: {  	_ =	swait.ge [sflag:s21], $0x4000  }
0x2c: {  	[sflag:s21] =	ssyncset.done $0x0  }
0x2d: {  	s25 =	simm.s32 $0x1480;
	[sflag:s21] =	ssyncadd.s32 $0xFFFFC000  }
0x2e: {  	[spmem:s2] =	stream.indirect.scatter.add.f32 [tilespmem:s19], [sflag:$0x4], $0x80, s25, s16, $0xb8;
	[tilespmem:$0x1F000] =	vst v63  }
0x2f: {  	s30 =	simm.s32 $0x100  }
0x30: {  	[tilespmem:s17], [sflag:$0x1] =	stream.indirect.gather [hbm4b:s1+s16], $0x80, s30, s16, $0xb8;
	[tilespmem:$0x1F000] =	vst v63  }
0x31: {  	_ =	swait.ge [sflag:s18], $0x4000  }
0x32: {  	[sflag:s18] =	ssyncset.done $0x0  }
0x33: {  	[sflag:s18] =	ssyncadd.s32 $0xFFFFC000  }
0x34: {  	_ =	swait.ge [sflag:s22], $0x4000  }
0x35: {  	s31 =	simm.s32 $0x1500;
	[sflag:s22] =	ssyncset.done $0x0  }
0x36: {  	s26 =	simm.s32 $0x180;
	s25 =	simm.s32 $0xFFFFB800;
	[sflag:s22] =	ssyncadd.s32 $0xFFFFC000  }
0x37: {  	[spmem:s2] =	stream.indirect.scatter.add.f32 [tilespmem:s17], [sflag:$0x3], $0x80, s31, s16, $0xb8;
	[tilespmem:$0x1F000] =	vst v63  }
.LBB2_2:
0x38: {  	[tilespmem:s19], [sflag:$0x2] =	stream.indirect.gather [hbm4b:s1+s16], $0x80, s26, s16, $0xb8;
	[tilespmem:$0x1F000] =	vst v63  }
0x39: {  	s26 =	smov.u32 s25  }
0x3a: {  	p0 =	sne.s32 s25, $0xFFFFFC00;
	s25 =	sadd.s32 $0x400, s25;
	_ =	swait.ge [sflag:s20], $0x4000  }
0x3b: {  	[sflag:s20] =	ssyncset.done $0x0  }
0x3c: {  	[sflag:s20] =	ssyncadd.s32 $0xFFFFC000  }
0x3d: {  	_ =	swait.ge [sflag:s21], $0x4000  }
0x3e: {  	s26 =	sshra.s32 s26, $0x2;
	[sflag:s21] =	ssyncset.done $0x0  }
0x3f: {  	s28 =	sadd.s32 $0x2780, s26;
	[sflag:s21] =	ssyncadd.s32 $0xFFFFC000  }
0x40: {  	[spmem:s2] =	stream.indirect.scatter.add.f32 [tilespmem:s19], [sflag:$0x4], $0x80, s28, s16, $0xb8;
	[tilespmem:$0x1F000] =	vst v63  }
0x41: {  	s28 =	sadd.s32 $0x1400, s26  }
0x42: {  	[tilespmem:s17], [sflag:$0x1] =	stream.indirect.gather [hbm4b:s1+s16], $0x80, s28, s16, $0xb8;
	[tilespmem:$0x1F000] =	vst v63  }
0x43: {  	_ =	swait.ge [sflag:s18], $0x4000  }
0x44: {  	[sflag:s18] =	ssyncset.done $0x0  }
0x45: {  	[sflag:s18] =	ssyncadd.s32 $0xFFFFC000  }
.Ltmp0:
0x46: {  	_ =	swait.ge [sflag:s22], $0x4000;
	(pc) =	sbr.rel @p0 .LBB2_2-.Ltmp0, $4  }
0x47: {  	[sflag:s22] =	ssyncset.done $0x0  }
0x48: {  	s28 =	sadd.s32 $0x2800, s26;
	[sflag:s22] =	ssyncadd.s32 $0xFFFFC000  }
0x49: {  	[spmem:s2] =	stream.indirect.scatter.add.f32 [tilespmem:s17], [sflag:$0x3], $0x80, s28, s16, $0xb8;
	[tilespmem:$0x1F000] =	vst v63  }
0x4a: {  	s26 =	sadd.s32 $0x1480, s26  }
0x4b: {  	[tilespmem:s19], [sflag:$0x2] =	stream.indirect.gather [hbm4b:s1+s16], $0x80, s26, s16, $0xb8;
	[tilespmem:$0x1F000] =	vst v63  }
0x4c: {  	_ =	swait.ge [sflag:s20], $0x4000  }
0x4d: {  	[sflag:s20] =	ssyncset.done $0x0  }
0x4e: {  	[sflag:s20] =	ssyncadd.s32 $0xFFFFC000  }
0x4f: {  	_ =	swait.ge [sflag:s21], $0x4000  }
0x50: {  	[sflag:s21] =	ssyncset.done $0x0  }
0x51: {  	[sflag:s21] =	ssyncadd.s32 $0xFFFFC000  }
0x52: {  	[spmem:s2] =	stream.indirect.scatter.add.f32 [tilespmem:s19], [sflag:$0x4], $0x80, s23, s16, $0xb8;
	[tilespmem:$0x1F000] =	vst v63  }
0x53: {  	_ =	swait.ge [sflag:s22], $0x4000  }
0x54: {  	[sflag:s22] =	ssyncset.done $0x0  }
0x55: {  	[sflag:s22] =	ssyncadd.s32 $0xFFFFC000  }
0x56: {  	[tilespmem:s4], [sflag:$0x5] =	stream.linear.gather [hbm4b:s9+s4], $0x1400, $0x38;
	[tilespmem:$0x1F000] =	vst v63  }
0x57: {  	_ =	swait.ge [sflag:s14], $0x1400  }
0x58: {  	[sflag:s14] =	ssyncset.done $0x0  }
0x59: {  	[sflag:s14] =	ssyncadd.s32 $0xFFFFEC00  }
0x5a: {  	[tilespmem:s15], [sflag:$0x5] =	stream.linear.gather [hbm4b:s10+s4], $0x1400, $0x38;
	[tilespmem:$0x1F000] =	vst v63  }
0x5b: {  	_ =	swait.ge [sflag:s14], $0x1400  }
0x5c: {  	[sflag:s14] =	ssyncset.done $0x0  }
0x5d: {  	[sflag:s14] =	ssyncadd.s32 $0xFFFFEC00  }
0x5e: {  	[tilespmem:s17], [sflag:$0x1] =	stream.indirect.gather [hbm4b:s1+s16], $0x80, s4, s16, $0xb8;
	[tilespmem:$0x1F000] =	vst v63  }
0x5f: {  	_ =	swait.ge [sflag:s18], $0x4000  }
0x60: {  	[sflag:s18] =	ssyncset.done $0x0  }
0x61: {  	[sflag:s18] =	ssyncadd.s32 $0xFFFFC000  }
0x62: {  	[spmem:s2] =	stream.indirect.scatter.add.f32 [tilespmem:s17], [sflag:$0x3], $0x80, s15, s16, $0xb8;
	[tilespmem:$0x1F000] =	vst v63  }
0x63: {  	_ = 	snop  }
0x64: {  	[tilespmem:s19], [sflag:$0x2] =	stream.indirect.gather [hbm4b:s1+s16], $0x80, s16, s16, $0xb8;
	[tilespmem:$0x1F000] =	vst v63  }
0x65: {  	_ =	swait.ge [sflag:s20], $0x4000  }
0x66: {  	[sflag:s20] =	ssyncset.done $0x0  }
0x67: {  	[sflag:s20] =	ssyncadd.s32 $0xFFFFC000  }
0x68: {  	_ =	swait.ge [sflag:s21], $0x4000  }
0x69: {  	[sflag:s21] =	ssyncset.done $0x0  }
0x6a: {  	s25 =	simm.s32 $0x1480;
	[sflag:s21] =	ssyncadd.s32 $0xFFFFC000  }
0x6b: {  	[spmem:s2] =	stream.indirect.scatter.add.f32 [tilespmem:s19], [sflag:$0x4], $0x80, s25, s16, $0xb8;
	[tilespmem:$0x1F000] =	vst v63  }
0x6c: {  	s30 =	simm.s32 $0x100  }
0x6d: {  	[tilespmem:s17], [sflag:$0x1] =	stream.indirect.gather [hbm4b:s1+s16], $0x80, s30, s16, $0xb8;
	[tilespmem:$0x1F000] =	vst v63  }
0x6e: {  	_ =	swait.ge [sflag:s18], $0x4000  }
0x6f: {  	[sflag:s18] =	ssyncset.done $0x0  }
0x70: {  	[sflag:s18] =	ssyncadd.s32 $0xFFFFC000  }
0x71: {  	_ =	swait.ge [sflag:s22], $0x4000  }
0x72: {  	s31 =	simm.s32 $0x1500;
	[sflag:s22] =	ssyncset.done $0x0  }
0x73: {  	s26 =	simm.s32 $0x180;
	s25 =	simm.s32 $0xFFFFB800;
	[sflag:s22] =	ssyncadd.s32 $0xFFFFC000  }
0x74: {  	[spmem:s2] =	stream.indirect.scatter.add.f32 [tilespmem:s17], [sflag:$0x3], $0x80, s31, s16, $0xb8;
	[tilespmem:$0x1F000] =	vst v63  }
.LBB2_4:
0x75: {  	[tilespmem:s19], [sflag:$0x2] =	stream.indirect.gather [hbm4b:s1+s16], $0x80, s26, s16, $0xb8;
	[tilespmem:$0x1F000] =	vst v63  }
0x76: {  	s26 =	smov.u32 s25  }
0x77: {  	p0 =	sne.s32 s25, $0xFFFFFC00;
	s25 =	sadd.s32 $0x400, s25;
	_ =	swait.ge [sflag:s20], $0x4000  }
0x78: {  	[sflag:s20] =	ssyncset.done $0x0  }
0x79: {  	[sflag:s20] =	ssyncadd.s32 $0xFFFFC000  }
0x7a: {  	_ =	swait.ge [sflag:s21], $0x4000  }
0x7b: {  	s26 =	sshra.s32 s26, $0x2;
	[sflag:s21] =	ssyncset.done $0x0  }
0x7c: {  	s28 =	sadd.s32 $0x2780, s26;
	[sflag:s21] =	ssyncadd.s32 $0xFFFFC000  }
0x7d: {  	[spmem:s2] =	stream.indirect.scatter.add.f32 [tilespmem:s19], [sflag:$0x4], $0x80, s28, s16, $0xb8;
	[tilespmem:$0x1F000] =	vst v63  }
0x7e: {  	s28 =	sadd.s32 $0x1400, s26  }
0x7f: {  	[tilespmem:s17], [sflag:$0x1] =	stream.indirect.gather [hbm4b:s1+s16], $0x80, s28, s16, $0xb8;
	[tilespmem:$0x1F000] =	vst v63  }
0x80: {  	_ =	swait.ge [sflag:s18], $0x4000  }
0x81: {  	[sflag:s18] =	ssyncset.done $0x0  }
0x82: {  	[sflag:s18] =	ssyncadd.s32 $0xFFFFC000  }
.Ltmp1:
0x83: {  	_ =	swait.ge [sflag:s22], $0x4000;
	(pc) =	sbr.rel @p0 .LBB2_4-.Ltmp1, $4  }
0x84: {  	[sflag:s22] =	ssyncset.done $0x0  }
0x85: {  	s28 =	sadd.s32 $0x2800, s26;
	[sflag:s22] =	ssyncadd.s32 $0xFFFFC000  }
0x86: {  	[spmem:s2] =	stream.indirect.scatter.add.f32 [tilespmem:s17], [sflag:$0x3], $0x80, s28, s16, $0xb8;
	[tilespmem:$0x1F000] =	vst v63  }
0x87: {  	s26 =	sadd.s32 $0x1480, s26  }
0x88: {  	[tilespmem:s19], [sflag:$0x2] =	stream.indirect.gather [hbm4b:s1+s16], $0x80, s26, s16, $0xb8;
	[tilespmem:$0x1F000] =	vst v63  }
0x89: {  	_ =	swait.ge [sflag:s20], $0x4000  }
0x8a: {  	[sflag:s20] =	ssyncset.done $0x0  }
0x8b: {  	[sflag:s20] =	ssyncadd.s32 $0xFFFFC000  }
0x8c: {  	_ =	swait.ge [sflag:s21], $0x4000  }
0x8d: {  	[sflag:s21] =	ssyncset.done $0x0  }
0x8e: {  	[sflag:s21] =	ssyncadd.s32 $0xFFFFC000  }
0x8f: {  	[spmem:s2] =	stream.indirect.scatter.add.f32 [tilespmem:s19], [sflag:$0x4], $0x80, s23, s16, $0xb8;
	[tilespmem:$0x1F000] =	vst v63  }
0x90: {  	_ =	swait.ge [sflag:s22], $0x4000  }
0x91: {  	s24 =	sadd.s32 $0x1, s24;
	[sflag:s22] =	ssyncset.done $0x0  }
0x92: {  	p0 =	sne.s32 s24, s12;
	[sflag:s22] =	ssyncadd.s32 $0xFFFFC000  }
.Ltmp2:
0x93: {  	[bflag:$0x0] =	sbarrier.arrive $0xFFFF;
	(pc) =	sbr.rel @p0 .LBB2_1-.Ltmp2, $4  }
0x94: {  	[hbm:s11], [sflag:s6] =	dma.local [spmem:s13], $0x2900  }
0x95: {  	_ =	swait.ge [sflag:s14], $0x2900  }
0x96: {  	[sflag:s14] =	ssyncset.done $0x0  }
0x97: {  	[sflag:s14] =	ssyncadd.s32 $0xFFFFD700  }
0x98: {  	_ =	sfence.sel $0x180000  }
0x99: {  	[bflag:$0x0] =	sbarrier.arrive $0xFFFF  }
0x9a: {  	p0 =	sne.s32 s3, $0x0;
	_ =	strace $0x90000047  }
0x9b: {  	s0 =	sadd.s32 @!p0 $0x100000, s0;
	[bflag:$0x2] =	sbarrier.arrive $0xFFFF  }
0x9c: {  	[sflag:s0] =	ssyncadd.tile.s32 @!p0 $0x1;
	_ =	shalt  }
.Lfunc_end2:
_tile_overlayer_lowered:
.L_overlay_start_2:
0x9d: {  	(tag) =	ssettag $0x2  }
0x9e: {  	s0 =	rddreg [dreg:$0x0];
	s2 =	stileid.u32  }
0x9f: {  	s1 =	rddreg [dreg:$0x1];
	p0 =	sne.s32 s2, $0x0  }
0xa0: {  	s3 =	rddreg [dreg:$0x2];
	[bflag:$0x3] =	sbarrier.arrive $0xFFFF;
	s2 =	simm.s32 @!p0 $0x1C05  }
0xa1: {  	[timem:s3], [sflag:s2] =	dma.local @!p0 [hbm:s0], s1  }
0xa2: {  	s0 =	simm.s32 @!p0 $0x5  }
0xa3: {  	_ =	swait.ge @!p0 [sflag:s0], s1  }
0xa4: {  	s1 =	ssub.s32 @!p0 $0x0, s1;
	[sflag:s0] =	ssyncset.done @!p0 $0x0  }
0xa5: {  	[sflag:s0] =	ssyncadd.s32 @!p0 s1  }
0xa6: {  	[bflag:$0x3] =	sbarrier.arrive $0xFFFF  }
0xa7: {  	_ =	shalt  }

// kernel: kernel.13.cloned.1.call-start
scs
__scs_entry_jumppad:
0x0: {  	(pc) =	sbr.rel $0x88, $3  }
0x1: {  	(tag) =	ssettag $0x0;
	lr =	simm.s32 $0x1  }
0x2: {  	[smem:$0x3F97] =	sst lr;
	_ =	strace $0xD0000000  }
0x3: {  	_ = 	snop  }
0x4: {  	_ = 	snop  }
0x5: {  	_ = 	snop  }
0x6: {  	_ = 	snop  }
0x7: {  	_ = 	snop  }
__scs_overlays_trampoline_lowered:
0x8: {  	[smem:$0x3FA6] =	sst s0  }
0x9: {  	[smem:$0x3FA7] =	sst s1  }
0xa: {  	[smem:$0x3FA8] =	sst s2  }
0xb: {  	[smem:$0x3FA9] =	sst s3  }
0xc: {  	[smem:$0x3FAA] =	sst s4  }
0xd: {  	[smem:$0x3FAB] =	sst s5  }
0xe: {  	[smem:$0x3FAC] =	sst s6  }
0xf: {  	[smem:$0x3FAD] =	sst s7  }
0x10: {  	[smem:$0x3FAE] =	sst s8  }
0x11: {  	[smem:$0x3FAF] =	sst s9;
	s0 =	simm.s32 @!p0 $0x0  }
0x12: {  	s1 =	sld [smem:$0x3F95];
	s0 =	simm.s32 @p0 $0x1  }
0x13: {  	[smem:$0x3FB0] =	sst s0;
	s0 =	simm.s32 @!p1 $0x0  }
0x14: {  	s2 =	sld [smem:$0x3F94];
	s0 =	simm.s32 @p1 $0x1  }
0x15: {  	[smem:$0x3FB1] =	sst s0;
	s0 =	simm.s32 @!p2 $0x0  }
0x16: {  	s3 =	sld [smem:$0x3FDB];
	s0 =	simm.s32 @p2 $0x1  }
0x17: {  	s4 =	simm.s32 $0x1BF5;
	[smem:$0x3FB3] =	sst s0  }
0x18: {  	s0 =	sld [smem:$0x3F96];
	_ =	swait.ge [sflag:s4], $0x0  }
0x19: {  	s7 =	sld [smem:$0x3F97]  }
0x1a: {  	s8 =	sadd.s32 $0xFFFFE003, lr  }
0x1b: {  	s9 =	sadd.s32 $0xFFFFFEF7, lr;
	s5 =	simm.s32 $0xFFFFFFFF;
	p2 =	slt.u32 s8, $0xFFFFF086  }
0x1c: {  	p1 =	slt.u32 s9, $0xF7A;
	s5 =	simm.s32 @!p2 $0x0  }
0x1d: {  	s5 =	simm.s32 @p1 $0x1;
	p0 =	seq.s32 s7, s2  }
0x1e: {  	s7 =	smul.u32 @!p0 $0xF7A, s2;
	p2 =	seq.s32 @!p0 s5, $0x0  }
0x1f: {  	s9 =	smul.u32 $0xF7A, s1;
	s8 =	simm.s32 @!p0 $0x1BF5;
	p2 =	por !p2, p0  }
0x20: {  	[sflag:s8] =	ssyncset.s32 @!p0 $0xFFFFF086;
	s6 =	sadd.s32 @!p0 s3, s7;
	s7 =	simm.s32 @!p0 $0x108  }
0x21: {  	s3 =	sadd.s32 s3, s9;
	s6 =	sadd.s32 @!p0 $0x88, s6;
	s7 =	simm.s32 @p2 $0x1082  }
0x22: {  	[simem:s7], [sflag:s8] =	dma.local @!p0 [hbm:s6], $0xF7A  }
0x23: {  	s9 =	sor.u32 $0xD0000000, s2;
	s6 =	simm.s32 $0x108;
	_ =	swait.ge @!p0 [sflag:s8], $0x0  }
0x24: {  	s3 =	sadd.s32 $0x88, s3;
	s6 =	simm.s32 @!p1 $0x1082;
	[sflag:s4] =	ssyncset.s32 $0xFFFFF086  }
0x25: {  	[simem:s6], [sflag:s4] =	dma.local [hbm:s3], $0xF7A  }
0x26: {  	[smem:$0x3F97] =	sst s1;
	(tag) =	ssettag s2;
	_ =	strace s9  }
0x27: {  	s1 =	sld [smem:$0x3FA7]  }
0x28: {  	s2 =	sld [smem:$0x3FA8]  }
0x29: {  	s4 =	sld [smem:$0x3FAA]  }
0x2a: {  	p0 =	seq.s32 s5, $0x0;
	s5 =	sld [smem:$0x3FAB]  }
0x2b: {  	s6 =	sld [smem:$0x3FAC]  }
0x2c: {  	s7 =	sld [smem:$0x3FAD]  }
0x2d: {  	s3 =	simm.s32 $0x108;
	s8 =	sld [smem:$0x3FAE]  }
0x2e: {  	s3 =	simm.s32 @!p0 $0x1082;
	s9 =	sld [smem:$0x3FAF]  }
0x2f: {  	lr =	sadd.s32 s0, s3;
	s0 =	sld [smem:$0x3FA6]  }
0x30: {  	s3 =	sld [smem:$0x3FA9]  }
0x31: {  	[smem:$0x3FB2] =	sst s10  }
0x32: {  	s10 =	sld [smem:$0x3FB0];
	_ =	sdelay $0x3  }
0x33: {  	p0 =	seq.s32 s10, $0x1;
	s10 =	sld [smem:$0x3FB2];
	_ =	sdelay $0x3  }
0x34: {  	[smem:$0x3FB2] =	sst s10  }
0x35: {  	s10 =	sld [smem:$0x3FB1];
	_ =	sdelay $0x3  }
0x36: {  	p1 =	seq.s32 s10, $0x1;
	s10 =	sld [smem:$0x3FB2];
	_ =	sdelay $0x3  }
0x37: {  	[smem:$0x3FB2] =	sst s10  }
0x38: {  	s10 =	sld [smem:$0x3FB3]  }
0x39: {  	_ = 	snop;
	(pc) =	sbr.ind lr, $3  }
0x3a: {  	_ = 	snop  }
0x3b: {  	_ = 	snop  }
0x3c: {  	p2 =	seq.s32 s10, $0x1;
	s10 =	sld [smem:$0x3FB2]  }
0x3d: {  	_ =	shalt  }
0x3e: {  	_ =	shalt  }
0x3f: {  	_ =	shalt  }
0x40: {  	_ =	shalt  }
0x41: {  	_ =	shalt  }
0x42: {  	_ =	shalt  }
0x43: {  	_ =	shalt  }
0x44: {  	_ =	shalt  }
0x45: {  	_ =	shalt  }
0x46: {  	_ =	shalt  }
0x47: {  	_ =	shalt  }
0x48: {  	_ =	shalt  }
0x49: {  	_ =	shalt  }
0x4a: {  	_ =	shalt  }
0x4b: {  	_ =	shalt  }
0x4c: {  	_ =	shalt  }
0x4d: {  	_ =	shalt  }
0x4e: {  	_ =	shalt  }
0x4f: {  	_ =	shalt  }
0x50: {  	_ =	shalt  }
0x51: {  	_ =	shalt  }
0x52: {  	_ =	shalt  }
0x53: {  	_ =	shalt  }
0x54: {  	_ =	shalt  }
0x55: {  	_ =	shalt  }
0x56: {  	_ =	shalt  }
0x57: {  	_ =	shalt  }
0x58: {  	_ =	shalt  }
0x59: {  	_ =	shalt  }
0x5a: {  	_ =	shalt  }
0x5b: {  	_ =	shalt  }
0x5c: {  	_ =	shalt  }
0x5d: {  	_ =	shalt  }
0x5e: {  	_ =	shalt  }
0x5f: {  	_ =	shalt  }
0x60: {  	_ =	shalt  }
0x61: {  	_ =	shalt  }
0x62: {  	_ =	shalt  }
0x63: {  	_ =	shalt  }
0x64: {  	_ =	shalt  }
0x65: {  	_ =	shalt  }
0x66: {  	_ =	shalt  }
0x67: {  	_ =	shalt  }
0x68: {  	_ =	shalt  }
0x69: {  	_ =	shalt  }
0x6a: {  	_ =	shalt  }
0x6b: {  	_ =	shalt  }
0x6c: {  	_ =	shalt  }
0x6d: {  	_ =	shalt  }
0x6e: {  	_ =	shalt  }
0x6f: {  	_ =	shalt  }
0x70: {  	_ =	shalt  }
0x71: {  	_ =	shalt  }
0x72: {  	_ =	shalt  }
0x73: {  	_ =	shalt  }
0x74: {  	_ =	shalt  }
0x75: {  	_ =	shalt  }
0x76: {  	_ =	shalt  }
0x77: {  	_ =	shalt  }
0x78: {  	_ =	shalt  }
0x79: {  	_ =	shalt  }
0x7a: {  	_ =	shalt  }
0x7b: {  	_ =	shalt  }
0x7c: {  	_ =	shalt  }
0x7d: {  	_ =	shalt  }
0x7e: {  	_ =	shalt  }
0x7f: {  	_ =	shalt  }
0x80: {  	_ =	shalt  }
0x81: {  	_ =	shalt  }
0x82: {  	_ =	shalt  }
0x83: {  	_ =	shalt  }
0x84: {  	_ =	shalt  }
0x85: {  	_ =	shalt  }
0x86: {  	_ =	shalt  }
0x87: {  	_ =	shalt  }
.Lfunc_end0:
.L_simem_size_0:
called_computation.2_lowered:
.L_overlay_start_0:
0x88: {  	s2 =	sld [smem:$0x3FD9]  }
0x89: {  	s3 =	sld [smem:$0x3FFE];
	_ =	sdelay $0x1  }
0x8a: {  	s1 =	srdreg.scid  }
0x8b: {  	s0 =	sand.u32 $0x1, s1  }
0x8c: {  	s17 =	sshll.u32 s0, $0xA;
	s2 =	sadd.s32 s3, s2  }
0x8d: {  	s2 =	sadd.s32 s2, s17  }
0x8e: {  	[smem:$0x3FBE] =	sst s2  }
0x8f: {  	_ = 	snop  }
0x90: {  	s2 =	sld [smem:$0x3FD0];
	(tm) =	ssettm $0x1  }
0x91: {  	s18 =	sld [smem:$0x3FFB];
	_ =	sdelay $0x3  }
0x92: {  	_ =	strace s18  }
0x93: {  	s3 =	sld [smem:$0x3FFC];
	_ =	sdelay $0x3  }
0x94: {  	_ =	strace s3  }
0x95: {  	s3 =	sld [smem:$0x3FFD];
	_ =	sdelay $0x3  }
0x96: {  	_ =	strace s3  }
0x97: {  	_ =	strace $0x8FFFFFFF  }
0x98: {  	s19 =	sld [smem:$0x3FDB];
	_ =	sdelay $0x1  }
0x99: {  	s4 =	simm.s32 $_scs_section_size  }
0x9a: {  	s5 =	simm.s32 $_size__tile_overlayer_lowered;
	s6 =	simm.s32 $_tile_overlayer_lowered  }
0x9b: {  	s22 =	simm.s32 $0x1BFF;
	s21 =	sshll.u32 s6, $0x1;
	s3 =	sadd.s32 s4, s19  }
0x9c: {  	s7 =	simm.s32 $0x0;
	s20 =	sshll.u32 s5, $0x1;
	s5 =	sadd.s32 s21, s3  }
0x9d: {  	[timem:s7], [sflag:s22] =	dma.local [hbm:s5], s20  }
0x9e: {  	_ =	swait.ge [sflag:s22], s20  }
0x9f: {  	s4 =	ssub.s32 $0x0, s20;
	[sflag:s22] =	ssyncset.done $0x0  }
0xa0: {  	[sflag:s22] =	ssyncadd.s32 s4;
	_ =	sdelay $0x1  }
0xa1: {  	s23 =	simm.s32 $0x1B8B  }
0xa2: {  	_ =	swait.ge [sflag:s23], $0x1  }
0xa3: {  	[sflag:s23] =	ssyncset.done $0x0  }
0xa4: {  	s25 =	simm.s32 $0x1B8E;
	s24 =	sld [smem:$0x3FFE];
	[sflag:s23] =	ssyncadd.s32 $0xFFFFFFFF  }
0xa5: {  	s26 =	simm.s32 $execute0_lowered;
	[smem:$0x3FD2] =	sst s25  }
0xa6: {  	s5 =	sshll.u32 s26, $0x1;
	_ =	strace $0x8000004C;
	[dreg:$0x1] =	wrdreg $0xFFFFFFFF  }
0xa7: {  	s28 =	simm.s32 $_size_execute0_lowered;
	s3 =	sadd.s32 s3, s5;
	[dreg:$0x0] =	wrdreg $0x0  }
0xa8: {  	s5 =	sshll.u32 s28, $0x1;
	[dreg:$0x2] =	wrdreg s3  }
0xa9: {  	[dreg:$0x3] =	wrdreg s5  }
0xaa: {  	[dreg:$0x4] =	wrdreg $0xC0  }
0xab: {  	_ =	task [dreg:s7], $0x5FFFF  }
0xac: {  	[dreg:$0x1] =	wrdreg $0xFFFFFFFF  }
0xad: {  	[dreg:$0x0] =	wrdreg $0x60  }
0xae: {  	[dreg:$0x2] =	wrdreg s24  }
0xaf: {  	[dreg:$0x3] =	wrdreg s2  }
0xb0: {  	[dreg:$0x4] =	wrdreg $0xA8000  }
0xb1: {  	[dreg:$0x5] =	wrdreg $0x9  }
0xb2: {  	_ =	task.clear_ibuf [dreg:s7], $0x6FFFF;
	_ =	strace $0x9000004C  }
0xb3: {  	s29 =	simm.s32 $0x9;
	_ =	strace $0x8000004E  }
0xb4: {  	_ =	swait.ge [sflag:s29], $0x1  }
0xb5: {  	[sflag:s29] =	ssyncadd.s32 $0xFFFFFFFF  }
0xb6: {  	_ =	strace $0x9000004E  }
0xb7: {  	_ =	sfence  }
0xb8: {  	s30 =	sld [smem:$0x0];
	_ =	sdelay $0x2  }
0xb9: {  	s31 =	sshll.u32 s1, $0xD;
	s1 =	sshrl.u32 s1, $0x2  }
0xba: {  	s3 =	sand.u32 $0x4000, s31;
	s1 =	sadd.s32 s1, s30  }
0xbb: {  	s0 =	sor.u32 s3, s0;
	s1 =	sshll.u32 s1, $0x11  }
0xbc: {  	s0 =	sor.u32 s1, s0  }
0xbd: {  	s0 =	sadd.s32 $0x8F2B, s0  }
0xbe: {  	[sflag:s0] =	ssyncadd.remote.s32 $0x1  }
0xbf: {  	_ =	sfence.sel $0xFFFF  }
0xc0: {  	[dreg:$0x0] =	wrdreg $0xFFFFFFFF;
	(pc) =	sbr.abs _section_cstart, $3  }
0xc1: {  	[dreg:$0x1] =	wrdreg $0xFFFFFFFF  }
0xc2: {  	_ =	task.clear_ibuf [dreg:s7], $0x2FFFF;
	_ =	strace $0x9FFFFFFF  }
0xc3: {  	(tm) =	ssettm $0x7FFFFFFF  }
tec
execute0_lowered:
.L_overlay_start_1:
0x0: {  	(tag) =	ssettag $0x1  }
0x1: {  	s6 =	rddreg [dreg:$0x0]  }
0x2: {  	s10 =	rddreg [dreg:$0x1]  }
0x3: {  	s1 =	rddreg [dreg:$0x2]  }
0x4: {  	s2 =	srdreg.scid;
	s0 =	rddreg [dreg:$0x3]  }
0x5: {  	s3 =	simm.s32 $0x0;
	s16 =	simm.s32 $0x80;
	s17 =	simm.s32 $0x2800  }
0x6: {  	s18 =	simm.s32 $0x1;
	s19 =	simm.s32 $0x6800;
	s20 =	simm.s32 $0x2  }
0x7: {  	s21 =	simm.s32 $0x3;
	s22 =	simm.s32 $0x4;
	s23 =	simm.s32 $0x2780  }
0x8: {  	s7 =	sand.u32 $0x1, s2;
	s2 =	stileid.u32;
	[smem:$0x7FF] =	sst s3  }
0x9: {  	s4 =	sadd.s32 $0xF400, s6;
	s11 =	sadd.s32 $0x2A00, s6;
	s8 =	smul.u32 $0x148000, s7  }
0xa: {  	s5 =	sadd.s32 $0xCA00, s6;
	s9 =	smul.u32 $0x14800, s2;
	_ =	strace $0x8000004D  }
0xb: {  	s24 =	sshll.u32 s2, $0x1;
	s12 =	ssub.s32 $0x2, s7;
	s25 =	smul.u32 $0x52000, s2  }
0xc: {  	s28 =	sshll.u32 s2, $0x6;
	s7 =	sor.u32 s7, s24;
	s13 =	sshrl.u32 s12, $0x1  }
0xd: {  	s24 =	simm.s32 $0x0;
	s8 =	sadd.s32 s9, s8;
	s14 =	smul.u32 $0x2800, s7  }
0xe: {  	s12 =	ssub.s32 s12, s13;
	s26 =	sshrl.u32 s25, $0x2;
	s29 =	smul.u32 $0x500, s7  }
0xf: {  	s8 =	sshrl.u32 s8, $0x3;
	s31 =	sadd.s32 s26, s1;
	s12 =	smax.u32 s12, $0x1  }
0x10: {  	s15 =	sadd.s32 s8, s6;
	s30 =	sshrl.u32 s14, $0x3;
	s6 =	sor.u32 $0x1C05, s28  }
0x11: {  	s7 =	sadd.s32 s11, s29;
	s8 =	sadd.s32 s10, s29;
	s14 =	sadd.s32 $0x280, s30  }
0x12: {  	s13 =	sshrl.u32 s31, $0x3;
	s9 =	sadd.s32 s11, s14;
	s10 =	sadd.s32 s10, s14  }
0x13: {  	s11 =	sadd.s32 $0x36600, s15;
	s14 =	simm.s32 $0x5;
	s15 =	simm.s32 $0x1400  }
.LBB2_1:
0x14: {  	[spmem:s13], [sflag:s6] =	dma.local [hbm:s5], $0x2900  }
0x15: {  	_ =	swait.ge [sflag:s14], $0x2900  }
0x16: {  	[sflag:s14] =	ssyncset.done $0x0  }
0x17: {  	[sflag:s14] =	ssyncadd.s32 $0xFFFFD700  }
0x18: {  	[bflag:$0x0] =	sbarrier.arrive $0xFFFF  }
0x19: {  	[tilespmem:s3], [sflag:$0x5] =	stream.linear.gather [hbm4b:s7+s3], $0x1400, $0x38;
	[tilespmem:$0x1F000] =	vst v63  }
0x1a: {  	_ =	swait.ge [sflag:s14], $0x1400  }
0x1b: {  	[sflag:s14] =	ssyncset.done $0x0  }
0x1c: {  	[sflag:s14] =	ssyncadd.s32 $0xFFFFEC00  }
0x1d: {  	[tilespmem:s15], [sflag:$0x5] =	stream.linear.gather [hbm4b:s8+s3], $0x1400, $0x38;
	[tilespmem:$0x1F000] =	vst v63  }
0x1e: {  	_ =	swait.ge [sflag:s14], $0x1400  }
0x1f: {  	[sflag:s14] =	ssyncset.done $0x0  }
0x20: {  	[sflag:s14] =	ssyncadd.s32 $0xFFFFEC00  }
0x21: {  	[tilespmem:s17], [sflag:$0x1] =	stream.indirect.gather [hbm4b:s4+s16], $0x80, s3, s16, $0xb8;
	[tilespmem:$0x1F000] =	vst v63  }
0x22: {  	_ =	swait.ge [sflag:s18], $0x4000  }
0x23: {  	[sflag:s18] =	ssyncset.done $0x0  }
0x24: {  	[sflag:s18] =	ssyncadd.s32 $0xFFFFC000  }
0x25: {  	[spmem:s1] =	stream.indirect.scatter.add.f32 [tilespmem:s17], [sflag:$0x3], $0x80, s15, s16, $0xb8;
	[tilespmem:$0x1F000] =	vst v63  }
0x26: {  	_ = 	snop  }
0x27: {  	[tilespmem:s19], [sflag:$0x2] =	stream.indirect.gather [hbm4b:s4+s16], $0x80, s16, s16, $0xb8;
	[tilespmem:$0x1F000] =	vst v63  }
0x28: {  	_ =	swait.ge [sflag:s20], $0x4000  }
0x29: {  	[sflag:s20] =	ssyncset.done $0x0  }
0x2a: {  	[sflag:s20] =	ssyncadd.s32 $0xFFFFC000  }
0x2b: {  	_ =	swait.ge [sflag:s21], $0x4000  }
0x2c: {  	[sflag:s21] =	ssyncset.done $0x0  }
0x2d: {  	s25 =	simm.s32 $0x1480;
	[sflag:s21] =	ssyncadd.s32 $0xFFFFC000  }
0x2e: {  	[spmem:s1] =	stream.indirect.scatter.add.f32 [tilespmem:s19], [sflag:$0x4], $0x80, s25, s16, $0xb8;
	[tilespmem:$0x1F000] =	vst v63  }
0x2f: {  	s30 =	simm.s32 $0x100  }
0x30: {  	[tilespmem:s17], [sflag:$0x1] =	stream.indirect.gather [hbm4b:s4+s16], $0x80, s30, s16, $0xb8;
	[tilespmem:$0x1F000] =	vst v63  }
0x31: {  	_ =	swait.ge [sflag:s18], $0x4000  }
0x32: {  	[sflag:s18] =	ssyncset.done $0x0  }
0x33: {  	[sflag:s18] =	ssyncadd.s32 $0xFFFFC000  }
0x34: {  	_ =	swait.ge [sflag:s22], $0x4000  }
0x35: {  	s31 =	simm.s32 $0x1500;
	[sflag:s22] =	ssyncset.done $0x0  }
0x36: {  	s26 =	simm.s32 $0x180;
	s25 =	simm.s32 $0xFFFFB800;
	[sflag:s22] =	ssyncadd.s32 $0xFFFFC000  }
0x37: {  	[spmem:s1] =	stream.indirect.scatter.add.f32 [tilespmem:s17], [sflag:$0x3], $0x80, s31, s16, $0xb8;
	[tilespmem:$0x1F000] =	vst v63  }
.LBB2_2:
0x38: {  	[tilespmem:s19], [sflag:$0x2] =	stream.indirect.gather [hbm4b:s4+s16], $0x80, s26, s16, $0xb8;
	[tilespmem:$0x1F000] =	vst v63  }
0x39: {  	s26 =	smov.u32 s25  }
0x3a: {  	p0 =	sne.s32 s25, $0xFFFFFC00;
	s25 =	sadd.s32 $0x400, s25;
	_ =	swait.ge [sflag:s20], $0x4000  }
0x3b: {  	[sflag:s20] =	ssyncset.done $0x0  }
0x3c: {  	[sflag:s20] =	ssyncadd.s32 $0xFFFFC000  }
0x3d: {  	_ =	swait.ge [sflag:s21], $0x4000  }
0x3e: {  	s26 =	sshra.s32 s26, $0x2;
	[sflag:s21] =	ssyncset.done $0x0  }
0x3f: {  	s28 =	sadd.s32 $0x2780, s26;
	[sflag:s21] =	ssyncadd.s32 $0xFFFFC000  }
0x40: {  	[spmem:s1] =	stream.indirect.scatter.add.f32 [tilespmem:s19], [sflag:$0x4], $0x80, s28, s16, $0xb8;
	[tilespmem:$0x1F000] =	vst v63  }
0x41: {  	s28 =	sadd.s32 $0x1400, s26  }
0x42: {  	[tilespmem:s17], [sflag:$0x1] =	stream.indirect.gather [hbm4b:s4+s16], $0x80, s28, s16, $0xb8;
	[tilespmem:$0x1F000] =	vst v63  }
0x43: {  	_ =	swait.ge [sflag:s18], $0x4000  }
0x44: {  	[sflag:s18] =	ssyncset.done $0x0  }
0x45: {  	[sflag:s18] =	ssyncadd.s32 $0xFFFFC000  }
.Ltmp0:
0x46: {  	_ =	swait.ge [sflag:s22], $0x4000;
	(pc) =	sbr.rel @p0 .LBB2_2-.Ltmp0, $4  }
0x47: {  	[sflag:s22] =	ssyncset.done $0x0  }
0x48: {  	s28 =	sadd.s32 $0x2800, s26;
	[sflag:s22] =	ssyncadd.s32 $0xFFFFC000  }
0x49: {  	[spmem:s1] =	stream.indirect.scatter.add.f32 [tilespmem:s17], [sflag:$0x3], $0x80, s28, s16, $0xb8;
	[tilespmem:$0x1F000] =	vst v63  }
0x4a: {  	s26 =	sadd.s32 $0x1480, s26  }
0x4b: {  	[tilespmem:s19], [sflag:$0x2] =	stream.indirect.gather [hbm4b:s4+s16], $0x80, s26, s16, $0xb8;
	[tilespmem:$0x1F000] =	vst v63  }
0x4c: {  	_ =	swait.ge [sflag:s20], $0x4000  }
0x4d: {  	[sflag:s20] =	ssyncset.done $0x0  }
0x4e: {  	[sflag:s20] =	ssyncadd.s32 $0xFFFFC000  }
0x4f: {  	_ =	swait.ge [sflag:s21], $0x4000  }
0x50: {  	[sflag:s21] =	ssyncset.done $0x0  }
0x51: {  	[sflag:s21] =	ssyncadd.s32 $0xFFFFC000  }
0x52: {  	[spmem:s1] =	stream.indirect.scatter.add.f32 [tilespmem:s19], [sflag:$0x4], $0x80, s23, s16, $0xb8;
	[tilespmem:$0x1F000] =	vst v63  }
0x53: {  	_ =	swait.ge [sflag:s22], $0x4000  }
0x54: {  	[sflag:s22] =	ssyncset.done $0x0  }
0x55: {  	[sflag:s22] =	ssyncadd.s32 $0xFFFFC000  }
0x56: {  	[tilespmem:s3], [sflag:$0x5] =	stream.linear.gather [hbm4b:s9+s3], $0x1400, $0x38;
	[tilespmem:$0x1F000] =	vst v63  }
0x57: {  	_ =	swait.ge [sflag:s14], $0x1400  }
0x58: {  	[sflag:s14] =	ssyncset.done $0x0  }
0x59: {  	[sflag:s14] =	ssyncadd.s32 $0xFFFFEC00  }
0x5a: {  	[tilespmem:s15], [sflag:$0x5] =	stream.linear.gather [hbm4b:s10+s3], $0x1400, $0x38;
	[tilespmem:$0x1F000] =	vst v63  }
0x5b: {  	_ =	swait.ge [sflag:s14], $0x1400  }
0x5c: {  	[sflag:s14] =	ssyncset.done $0x0  }
0x5d: {  	[sflag:s14] =	ssyncadd.s32 $0xFFFFEC00  }
0x5e: {  	[tilespmem:s17], [sflag:$0x1] =	stream.indirect.gather [hbm4b:s4+s16], $0x80, s3, s16, $0xb8;
	[tilespmem:$0x1F000] =	vst v63  }
0x5f: {  	_ =	swait.ge [sflag:s18], $0x4000  }
0x60: {  	[sflag:s18] =	ssyncset.done $0x0  }
0x61: {  	[sflag:s18] =	ssyncadd.s32 $0xFFFFC000  }
0x62: {  	[spmem:s1] =	stream.indirect.scatter.add.f32 [tilespmem:s17], [sflag:$0x3], $0x80, s15, s16, $0xb8;
	[tilespmem:$0x1F000] =	vst v63  }
0x63: {  	_ = 	snop  }
0x64: {  	[tilespmem:s19], [sflag:$0x2] =	stream.indirect.gather [hbm4b:s4+s16], $0x80, s16, s16, $0xb8;
	[tilespmem:$0x1F000] =	vst v63  }
0x65: {  	_ =	swait.ge [sflag:s20], $0x4000  }
0x66: {  	[sflag:s20] =	ssyncset.done $0x0  }
0x67: {  	[sflag:s20] =	ssyncadd.s32 $0xFFFFC000  }
0x68: {  	_ =	swait.ge [sflag:s21], $0x4000  }
0x69: {  	[sflag:s21] =	ssyncset.done $0x0  }
0x6a: {  	s25 =	simm.s32 $0x1480;
	[sflag:s21] =	ssyncadd.s32 $0xFFFFC000  }
0x6b: {  	[spmem:s1] =	stream.indirect.scatter.add.f32 [tilespmem:s19], [sflag:$0x4], $0x80, s25, s16, $0xb8;
	[tilespmem:$0x1F000] =	vst v63  }
0x6c: {  	s30 =	simm.s32 $0x100  }
0x6d: {  	[tilespmem:s17], [sflag:$0x1] =	stream.indirect.gather [hbm4b:s4+s16], $0x80, s30, s16, $0xb8;
	[tilespmem:$0x1F000] =	vst v63  }
0x6e: {  	_ =	swait.ge [sflag:s18], $0x4000  }
0x6f: {  	[sflag:s18] =	ssyncset.done $0x0  }
0x70: {  	[sflag:s18] =	ssyncadd.s32 $0xFFFFC000  }
0x71: {  	_ =	swait.ge [sflag:s22], $0x4000  }
0x72: {  	s31 =	simm.s32 $0x1500;
	[sflag:s22] =	ssyncset.done $0x0  }
0x73: {  	s26 =	simm.s32 $0x180;
	s25 =	simm.s32 $0xFFFFB800;
	[sflag:s22] =	ssyncadd.s32 $0xFFFFC000  }
0x74: {  	[spmem:s1] =	stream.indirect.scatter.add.f32 [tilespmem:s17], [sflag:$0x3], $0x80, s31, s16, $0xb8;
	[tilespmem:$0x1F000] =	vst v63  }
.LBB2_4:
0x75: {  	[tilespmem:s19], [sflag:$0x2] =	stream.indirect.gather [hbm4b:s4+s16], $0x80, s26, s16, $0xb8;
	[tilespmem:$0x1F000] =	vst v63  }
0x76: {  	s26 =	smov.u32 s25  }
0x77: {  	p0 =	sne.s32 s25, $0xFFFFFC00;
	s25 =	sadd.s32 $0x400, s25;
	_ =	swait.ge [sflag:s20], $0x4000  }
0x78: {  	[sflag:s20] =	ssyncset.done $0x0  }
0x79: {  	[sflag:s20] =	ssyncadd.s32 $0xFFFFC000  }
0x7a: {  	_ =	swait.ge [sflag:s21], $0x4000  }
0x7b: {  	s26 =	sshra.s32 s26, $0x2;
	[sflag:s21] =	ssyncset.done $0x0  }
0x7c: {  	s28 =	sadd.s32 $0x2780, s26;
	[sflag:s21] =	ssyncadd.s32 $0xFFFFC000  }
0x7d: {  	[spmem:s1] =	stream.indirect.scatter.add.f32 [tilespmem:s19], [sflag:$0x4], $0x80, s28, s16, $0xb8;
	[tilespmem:$0x1F000] =	vst v63  }
0x7e: {  	s28 =	sadd.s32 $0x1400, s26  }
0x7f: {  	[tilespmem:s17], [sflag:$0x1] =	stream.indirect.gather [hbm4b:s4+s16], $0x80, s28, s16, $0xb8;
	[tilespmem:$0x1F000] =	vst v63  }
0x80: {  	_ =	swait.ge [sflag:s18], $0x4000  }
0x81: {  	[sflag:s18] =	ssyncset.done $0x0  }
0x82: {  	[sflag:s18] =	ssyncadd.s32 $0xFFFFC000  }
.Ltmp1:
0x83: {  	_ =	swait.ge [sflag:s22], $0x4000;
	(pc) =	sbr.rel @p0 .LBB2_4-.Ltmp1, $4  }
0x84: {  	[sflag:s22] =	ssyncset.done $0x0  }
0x85: {  	s28 =	sadd.s32 $0x2800, s26;
	[sflag:s22] =	ssyncadd.s32 $0xFFFFC000  }
0x86: {  	[spmem:s1] =	stream.indirect.scatter.add.f32 [tilespmem:s17], [sflag:$0x3], $0x80, s28, s16, $0xb8;
	[tilespmem:$0x1F000] =	vst v63  }
0x87: {  	s26 =	sadd.s32 $0x1480, s26  }
0x88: {  	[tilespmem:s19], [sflag:$0x2] =	stream.indirect.gather [hbm4b:s4+s16], $0x80, s26, s16, $0xb8;
	[tilespmem:$0x1F000] =	vst v63  }
0x89: {  	_ =	swait.ge [sflag:s20], $0x4000  }
0x8a: {  	[sflag:s20] =	ssyncset.done $0x0  }
0x8b: {  	[sflag:s20] =	ssyncadd.s32 $0xFFFFC000  }
0x8c: {  	_ =	swait.ge [sflag:s21], $0x4000  }
0x8d: {  	[sflag:s21] =	ssyncset.done $0x0  }
0x8e: {  	[sflag:s21] =	ssyncadd.s32 $0xFFFFC000  }
0x8f: {  	[spmem:s1] =	stream.indirect.scatter.add.f32 [tilespmem:s19], [sflag:$0x4], $0x80, s23, s16, $0xb8;
	[tilespmem:$0x1F000] =	vst v63  }
0x90: {  	_ =	swait.ge [sflag:s22], $0x4000  }
0x91: {  	s24 =	sadd.s32 $0x1, s24;
	[sflag:s22] =	ssyncset.done $0x0  }
0x92: {  	p0 =	sne.s32 s24, s12;
	[sflag:s22] =	ssyncadd.s32 $0xFFFFC000  }
.Ltmp2:
0x93: {  	[bflag:$0x0] =	sbarrier.arrive $0xFFFF;
	(pc) =	sbr.rel @p0 .LBB2_1-.Ltmp2, $4  }
0x94: {  	[hbm:s11], [sflag:s6] =	dma.local [spmem:s13], $0x2900  }
0x95: {  	_ =	swait.ge [sflag:s14], $0x2900  }
0x96: {  	[sflag:s14] =	ssyncset.done $0x0  }
0x97: {  	[sflag:s14] =	ssyncadd.s32 $0xFFFFD700  }
0x98: {  	_ =	sfence.sel $0x180000  }
0x99: {  	[bflag:$0x0] =	sbarrier.arrive $0xFFFF  }
0x9a: {  	p0 =	sne.s32 s2, $0x0;
	_ =	strace $0x9000004D  }
0x9b: {  	s0 =	sadd.s32 @!p0 $0x100000, s0;
	[bflag:$0x2] =	sbarrier.arrive $0xFFFF  }
0x9c: {  	[sflag:s0] =	ssyncadd.tile.s32 @!p0 $0x1;
	_ =	shalt  }
.Lfunc_end2:
_tile_overlayer_lowered:
.L_overlay_start_2:
0x9d: {  	(tag) =	ssettag $0x2  }
0x9e: {  	s0 =	rddreg [dreg:$0x0];
	s2 =	stileid.u32  }
0x9f: {  	s1 =	rddreg [dreg:$0x1];
	p0 =	sne.s32 s2, $0x0  }
0xa0: {  	s3 =	rddreg [dreg:$0x2];
	[bflag:$0x3] =	sbarrier.arrive $0xFFFF;
	s2 =	simm.s32 @!p0 $0x1C05  }
0xa1: {  	[timem:s3], [sflag:s2] =	dma.local @!p0 [hbm:s0], s1  }
0xa2: {  	s0 =	simm.s32 @!p0 $0x5  }
0xa3: {  	_ =	swait.ge @!p0 [sflag:s0], s1  }
0xa4: {  	s1 =	ssub.s32 @!p0 $0x0, s1;
	[sflag:s0] =	ssyncset.done @!p0 $0x0  }
0xa5: {  	[sflag:s0] =	ssyncadd.s32 @!p0 s1  }
0xa6: {  	[bflag:$0x3] =	sbarrier.arrive $0xFFFF  }
0xa7: {  	_ =	shalt  }

// kernel: kernel.7.cloned.1.call-start
scs
__scs_entry_jumppad:
0x0: {  	(pc) =	sbr.rel $0x88, $3  }
0x1: {  	(tag) =	ssettag $0x0;
	lr =	simm.s32 $0x1  }
0x2: {  	[smem:$0x3F97] =	sst lr;
	_ =	strace $0xD0000000  }
0x3: {  	_ = 	snop  }
0x4: {  	_ = 	snop  }
0x5: {  	_ = 	snop  }
0x6: {  	_ = 	snop  }
0x7: {  	_ = 	snop  }
__scs_overlays_trampoline_lowered:
0x8: {  	[smem:$0x3FA6] =	sst s0  }
0x9: {  	[smem:$0x3FA7] =	sst s1  }
0xa: {  	[smem:$0x3FA8] =	sst s2  }
0xb: {  	[smem:$0x3FA9] =	sst s3  }
0xc: {  	[smem:$0x3FAA] =	sst s4  }
0xd: {  	[smem:$0x3FAB] =	sst s5  }
0xe: {  	[smem:$0x3FAC] =	sst s6  }
0xf: {  	[smem:$0x3FAD] =	sst s7  }
0x10: {  	[smem:$0x3FAE] =	sst s8  }
0x11: {  	[smem:$0x3FAF] =	sst s9;
	s0 =	simm.s32 @!p0 $0x0  }
0x12: {  	s1 =	sld [smem:$0x3F95];
	s0 =	simm.s32 @p0 $0x1  }
0x13: {  	[smem:$0x3FB0] =	sst s0;
	s0 =	simm.s32 @!p1 $0x0  }
0x14: {  	s2 =	sld [smem:$0x3F94];
	s0 =	simm.s32 @p1 $0x1  }
0x15: {  	[smem:$0x3FB1] =	sst s0;
	s0 =	simm.s32 @!p2 $0x0  }
0x16: {  	s3 =	sld [smem:$0x3FDB];
	s0 =	simm.s32 @p2 $0x1  }
0x17: {  	s4 =	simm.s32 $0x1BF5;
	[smem:$0x3FB3] =	sst s0  }
0x18: {  	s0 =	sld [smem:$0x3F96];
	_ =	swait.ge [sflag:s4], $0x0  }
0x19: {  	s7 =	sld [smem:$0x3F97]  }
0x1a: {  	s8 =	sadd.s32 $0xFFFFE003, lr  }
0x1b: {  	s9 =	sadd.s32 $0xFFFFFEF7, lr;
	s5 =	simm.s32 $0xFFFFFFFF;
	p2 =	slt.u32 s8, $0xFFFFF086  }
0x1c: {  	p1 =	slt.u32 s9, $0xF7A;
	s5 =	simm.s32 @!p2 $0x0  }
0x1d: {  	s5 =	simm.s32 @p1 $0x1;
	p0 =	seq.s32 s7, s2  }
0x1e: {  	s7 =	smul.u32 @!p0 $0xF7A, s2;
	p2 =	seq.s32 @!p0 s5, $0x0  }
0x1f: {  	s9 =	smul.u32 $0xF7A, s1;
	s8 =	simm.s32 @!p0 $0x1BF5;
	p2 =	por !p2, p0  }
0x20: {  	[sflag:s8] =	ssyncset.s32 @!p0 $0xFFFFF086;
	s6 =	sadd.s32 @!p0 s3, s7;
	s7 =	simm.s32 @!p0 $0x108  }
0x21: {  	s3 =	sadd.s32 s3, s9;
	s6 =	sadd.s32 @!p0 $0x88, s6;
	s7 =	simm.s32 @p2 $0x1082  }
0x22: {  	[simem:s7], [sflag:s8] =	dma.local @!p0 [hbm:s6], $0xF7A  }
0x23: {  	s9 =	sor.u32 $0xD0000000, s2;
	s6 =	simm.s32 $0x108;
	_ =	swait.ge @!p0 [sflag:s8], $0x0  }
0x24: {  	s3 =	sadd.s32 $0x88, s3;
	s6 =	simm.s32 @!p1 $0x1082;
	[sflag:s4] =	ssyncset.s32 $0xFFFFF086  }
0x25: {  	[simem:s6], [sflag:s4] =	dma.local [hbm:s3], $0xF7A  }
0x26: {  	[smem:$0x3F97] =	sst s1;
	(tag) =	ssettag s2;
	_ =	strace s9  }
0x27: {  	s1 =	sld [smem:$0x3FA7]  }
0x28: {  	s2 =	sld [smem:$0x3FA8]  }
0x29: {  	s4 =	sld [smem:$0x3FAA]  }
0x2a: {  	p0 =	seq.s32 s5, $0x0;
	s5 =	sld [smem:$0x3FAB]  }
0x2b: {  	s6 =	sld [smem:$0x3FAC]  }
0x2c: {  	s7 =	sld [smem:$0x3FAD]  }
0x2d: {  	s3 =	simm.s32 $0x108;
	s8 =	sld [smem:$0x3FAE]  }
0x2e: {  	s3 =	simm.s32 @!p0 $0x1082;
	s9 =	sld [smem:$0x3FAF]  }
0x2f: {  	lr =	sadd.s32 s0, s3;
	s0 =	sld [smem:$0x3FA6]  }
0x30: {  	s3 =	sld [smem:$0x3FA9]  }
0x31: {  	[smem:$0x3FB2] =	sst s10  }
0x32: {  	s10 =	sld [smem:$0x3FB0];
	_ =	sdelay $0x3  }
0x33: {  	p0 =	seq.s32 s10, $0x1;
	s10 =	sld [smem:$0x3FB2];
	_ =	sdelay $0x3  }
0x34: {  	[smem:$0x3FB2] =	sst s10  }
0x35: {  	s10 =	sld [smem:$0x3FB1];
	_ =	sdelay $0x3  }
0x36: {  	p1 =	seq.s32 s10, $0x1;
	s10 =	sld [smem:$0x3FB2];
	_ =	sdelay $0x3  }
0x37: {  	[smem:$0x3FB2] =	sst s10  }
0x38: {  	s10 =	sld [smem:$0x3FB3]  }
0x39: {  	_ = 	snop;
	(pc) =	sbr.ind lr, $3  }
0x3a: {  	_ = 	snop  }
0x3b: {  	_ = 	snop  }
0x3c: {  	p2 =	seq.s32 s10, $0x1;
	s10 =	sld [smem:$0x3FB2]  }
0x3d: {  	_ =	shalt  }
0x3e: {  	_ =	shalt  }
0x3f: {  	_ =	shalt  }
0x40: {  	_ =	shalt  }
0x41: {  	_ =	shalt  }
0x42: {  	_ =	shalt  }
0x43: {  	_ =	shalt  }
0x44: {  	_ =	shalt  }
0x45: {  	_ =	shalt  }
0x46: {  	_ =	shalt  }
0x47: {  	_ =	shalt  }
0x48: {  	_ =	shalt  }
0x49: {  	_ =	shalt  }
0x4a: {  	_ =	shalt  }
0x4b: {  	_ =	shalt  }
0x4c: {  	_ =	shalt  }
0x4d: {  	_ =	shalt  }
0x4e: {  	_ =	shalt  }
0x4f: {  	_ =	shalt  }
0x50: {  	_ =	shalt  }
0x51: {  	_ =	shalt  }
0x52: {  	_ =	shalt  }
0x53: {  	_ =	shalt  }
0x54: {  	_ =	shalt  }
0x55: {  	_ =	shalt  }
0x56: {  	_ =	shalt  }
0x57: {  	_ =	shalt  }
0x58: {  	_ =	shalt  }
0x59: {  	_ =	shalt  }
0x5a: {  	_ =	shalt  }
0x5b: {  	_ =	shalt  }
0x5c: {  	_ =	shalt  }
0x5d: {  	_ =	shalt  }
0x5e: {  	_ =	shalt  }
0x5f: {  	_ =	shalt  }
0x60: {  	_ =	shalt  }
0x61: {  	_ =	shalt  }
0x62: {  	_ =	shalt  }
0x63: {  	_ =	shalt  }
0x64: {  	_ =	shalt  }
0x65: {  	_ =	shalt  }
0x66: {  	_ =	shalt  }
0x67: {  	_ =	shalt  }
0x68: {  	_ =	shalt  }
0x69: {  	_ =	shalt  }
0x6a: {  	_ =	shalt  }
0x6b: {  	_ =	shalt  }
0x6c: {  	_ =	shalt  }
0x6d: {  	_ =	shalt  }
0x6e: {  	_ =	shalt  }
0x6f: {  	_ =	shalt  }
0x70: {  	_ =	shalt  }
0x71: {  	_ =	shalt  }
0x72: {  	_ =	shalt  }
0x73: {  	_ =	shalt  }
0x74: {  	_ =	shalt  }
0x75: {  	_ =	shalt  }
0x76: {  	_ =	shalt  }
0x77: {  	_ =	shalt  }
0x78: {  	_ =	shalt  }
0x79: {  	_ =	shalt  }
0x7a: {  	_ =	shalt  }
0x7b: {  	_ =	shalt  }
0x7c: {  	_ =	shalt  }
0x7d: {  	_ =	shalt  }
0x7e: {  	_ =	shalt  }
0x7f: {  	_ =	shalt  }
0x80: {  	_ =	shalt  }
0x81: {  	_ =	shalt  }
0x82: {  	_ =	shalt  }
0x83: {  	_ =	shalt  }
0x84: {  	_ =	shalt  }
0x85: {  	_ =	shalt  }
0x86: {  	_ =	shalt  }
0x87: {  	_ =	shalt  }
.Lfunc_end0:
.L_simem_size_0:
called_computation_lowered:
.L_overlay_start_0:
0x88: {  	s2 =	sld [smem:$0x3FD9]  }
0x89: {  	s3 =	sld [smem:$0x3FFE];
	_ =	sdelay $0x1  }
0x8a: {  	s1 =	srdreg.scid  }
0x8b: {  	s0 =	sand.u32 $0x1, s1  }
0x8c: {  	s17 =	sshll.u32 s0, $0xA;
	s2 =	sadd.s32 s3, s2  }
0x8d: {  	s2 =	sadd.s32 s2, s17  }
0x8e: {  	[smem:$0x3FBE] =	sst s2  }
0x8f: {  	_ = 	snop  }
0x90: {  	s18 =	sld [smem:$0x3FD0];
	(tm) =	ssettm $0x1  }
0x91: {  	s19 =	sld [smem:$0x3FFB];
	_ =	sdelay $0x3  }
0x92: {  	_ =	strace s19  }
0x93: {  	s2 =	sld [smem:$0x3FFC];
	_ =	sdelay $0x3  }
0x94: {  	_ =	strace s2  }
0x95: {  	s2 =	sld [smem:$0x3FFD];
	_ =	sdelay $0x3  }
0x96: {  	_ =	strace s2  }
0x97: {  	_ =	strace $0x8FFFFFFF  }
0x98: {  	s20 =	sld [smem:$0x3FDB];
	_ =	sdelay $0x1  }
0x99: {  	s4 =	simm.s32 $_scs_section_size  }
0x9a: {  	s5 =	simm.s32 $_size__tile_overlayer_lowered;
	s6 =	simm.s32 $_tile_overlayer_lowered  }
0x9b: {  	s7 =	simm.s32 $0x1BFF;
	s21 =	sshll.u32 s6, $0x1;
	s4 =	sadd.s32 s4, s20  }
0x9c: {  	s22 =	simm.s32 $0x0;
	s5 =	sshll.u32 s5, $0x1;
	s6 =	sadd.s32 s21, s4  }
0x9d: {  	[timem:s22], [sflag:s7] =	dma.local [hbm:s6], s5  }
0x9e: {  	_ =	swait.ge [sflag:s7], s5  }
0x9f: {  	s5 =	ssub.s32 $0x0, s5;
	[sflag:s7] =	ssyncset.done $0x0  }
0xa0: {  	[sflag:s7] =	ssyncadd.s32 s5;
	_ =	sdelay $0x1  }
0xa1: {  	s23 =	simm.s32 $0x1B8B  }
0xa2: {  	_ =	swait.ge [sflag:s23], $0x1  }
0xa3: {  	[sflag:s23] =	ssyncset.done $0x0  }
0xa4: {  	[sflag:s23] =	ssyncadd.s32 $0xFFFFFFFF  }
0xa5: {  	s5 =	sld [smem:$0x0]  }
0xa6: {  	s6 =	sand.u32 $0xFFFFFFFE, s1  }
0xa7: {  	p0 =	sne.s32 s1, s6  }
0xa8: {  	s6 =	sshll.u32 @p0 s6, $0xE  }
0xa9: {  	s6 =	sadd.s32 @p0 $0x11B8D, s6;
	s7 =	sshll.u32 @p0 s5, $0x11  }
0xaa: {  	s6 =	sor.u32 @p0 s7, s6  }
0xab: {  	[sflag:s6] =	ssyncadd.remote.s32 @p0 $0x1;
	_ =	sdelay $0x1  }
0xac: {  	s6 =	simm.s32 @p0 $0x1B8D  }
0xad: {  	_ =	swait.eq @p0 [sflag:s6], $0x1  }
0xae: {  	[sflag:s6] =	ssyncadd.s32 @p0 $0xFFFFFFFF  }
0xaf: {  	s7 =	sshll.u32 @!p0 s1, $0xE  }
0xb0: {  	s7 =	sor.u32 @!p0 $0x4000, s7;
	s6 =	simm.s32 @!p0 $0x1B8D  }
0xb1: {  	s5 =	sshll.u32 @!p0 s5, $0x11;
	s7 =	sadd.s32 @!p0 $0x11B8D, s7;
	_ =	swait.eq @!p0 [sflag:s6], $0x1  }
0xb2: {  	s5 =	sor.u32 @!p0 s5, s7;
	[sflag:s6] =	ssyncadd.s32 @!p0 $0xFFFFFFFF  }
0xb3: {  	s25 =	simm.s32 $0x1B8E;
	s24 =	sld [smem:$0x3FFE];
	[sflag:s5] =	ssyncadd.remote.s32 @!p0 $0x1  }
0xb4: {  	s26 =	simm.s32 $execute0_lowered;
	[smem:$0x3FD2] =	sst s25  }
0xb5: {  	s6 =	sshll.u32 s26, $0x1;
	_ =	strace $0x80000049;
	[dreg:$0x1] =	wrdreg $0xFFFFFFFF  }
0xb6: {  	s28 =	simm.s32 $_size_execute0_lowered;
	s4 =	sadd.s32 s4, s6;
	[dreg:$0x0] =	wrdreg $0x0  }
0xb7: {  	s6 =	sshll.u32 s28, $0x1;
	[dreg:$0x2] =	wrdreg s4  }
0xb8: {  	[dreg:$0x3] =	wrdreg s6  }
0xb9: {  	[dreg:$0x4] =	wrdreg $0xC0  }
0xba: {  	_ =	task [dreg:s22], $0x5FFFF  }
0xbb: {  	[dreg:$0x1] =	wrdreg $0xFFFFFFFF  }
0xbc: {  	[dreg:$0x0] =	wrdreg $0x60  }
0xbd: {  	[dreg:$0x2] =	wrdreg s18  }
0xbe: {  	[dreg:$0x3] =	wrdreg s24  }
0xbf: {  	[dreg:$0x4] =	wrdreg $0x68000  }
0xc0: {  	[dreg:$0x5] =	wrdreg $0x9  }
0xc1: {  	_ =	task.clear_ibuf [dreg:s22], $0x6FFFF;
	_ =	strace $0x90000049  }
0xc2: {  	s29 =	simm.s32 $0x9;
	_ =	strace $0x8000004B  }
0xc3: {  	_ =	swait.ge [sflag:s29], $0x1  }
0xc4: {  	[sflag:s29] =	ssyncadd.s32 $0xFFFFFFFF  }
0xc5: {  	_ =	strace $0x9000004B  }
0xc6: {  	_ =	sfence  }
0xc7: {  	s30 =	sld [smem:$0x0];
	_ =	sdelay $0x2  }
0xc8: {  	s31 =	sshll.u32 s1, $0xD;
	s1 =	sshrl.u32 s1, $0x2  }
0xc9: {  	s4 =	sand.u32 $0x4000, s31;
	s1 =	sadd.s32 s1, s30  }
0xca: {  	s0 =	sor.u32 s4, s0;
	s1 =	sshll.u32 s1, $0x11  }
0xcb: {  	s0 =	sor.u32 s1, s0  }
0xcc: {  	s0 =	sadd.s32 $0x8F2B, s0  }
0xcd: {  	[sflag:s0] =	ssyncadd.remote.s32 $0x1  }
0xce: {  	_ =	sfence.sel $0xFFFF  }
0xcf: {  	[dreg:$0x0] =	wrdreg $0xFFFFFFFF;
	(pc) =	sbr.abs _section_cstart, $3  }
0xd0: {  	[dreg:$0x1] =	wrdreg $0xFFFFFFFF  }
0xd1: {  	_ =	task.clear_ibuf [dreg:s22], $0x2FFFF;
	_ =	strace $0x9FFFFFFF  }
0xd2: {  	(tm) =	ssettm $0x7FFFFFFF  }
0xd3: {  	_ =	shalt  }
tec
execute0_lowered:
.L_overlay_start_1:
0x0: {  	(tag) =	ssettag $0x1  }
0x1: {  	s6 =	rddreg [dreg:$0x0]  }
0x2: {  	s7 =	rddreg [dreg:$0x1]  }
0x3: {  	s1 =	rddreg [dreg:$0x2]  }
0x4: {  	s0 =	rddreg [dreg:$0x3];
	s3 =	simm.s32 $0x0;
	s2 =	srdreg.scid  }
0x5: {  	s13 =	simm.s32 $0x80;
	[smem:$0x7FF] =	sst s3;
	s8 =	sand.u32 $0x1, s2  }
0x6: {  	s14 =	simm.s32 $0x0;
	s2 =	stileid.u32;
	s9 =	smul.u32 $0x148000, s8  }
0x7: {  	s4 =	sadd.s32 $0x61400, s7;
	s5 =	sadd.s32 $0xCA00, s7;
	s10 =	smul.u32 $0x14800, s2  }
0x8: {  	_ =	strace $0x8000004A;
	s11 =	sshll.u32 s2, $0x1;
	s29 =	smul.u32 $0x52000, s2  }
0x9: {  	s31 =	sshll.u32 s2, $0x6;
	s11 =	sor.u32 s8, s11;
	s8 =	ssub.s32 $0x2, s8  }
0xa: {  	s9 =	sadd.s32 s10, s9;
	s11 =	smul.u32 $0x500, s11;
	s30 =	sshrl.u32 s8, $0x1  }
0xb: {  	s10 =	sshrl.u32 s29, $0x2;
	s9 =	sshrl.u32 s9, $0x3;
	s8 =	ssub.s32 s8, s30  }
0xc: {  	s12 =	sadd.s32 s10, s1;
	s10 =	simm.s32 $0x1;
	s7 =	sadd.s32 s9, s7  }
0xd: {  	s6 =	sadd.s32 s6, s11;
	s8 =	smax.u32 s8, $0x1;
	s9 =	simm.s32 $0x2800  }
0xe: {  	s11 =	sor.u32 $0x1C01, s31;
	s12 =	sshrl.u32 s12, $0x3;
	s7 =	sadd.s32 $0x61C00, s7  }
.LBB2_1:
0xf: {  	[tilespmem:s9], [sflag:$0x1] =	stream.linear.gather [hbm4b:s4+s3], $0x4000, $0x38;
	[tilespmem:$0x1B000] =	vst v63  }
0x10: {  	_ =	swait.ge [sflag:s10], $0x4000  }
0x11: {  	[sflag:s10] =	ssyncset.done $0x0  }
0x12: {  	[sflag:s10] =	ssyncadd.s32 $0xFFFFC000  }
0x13: {  	[spmem:s12], [sflag:s11] =	dma.local [hbm:s5], $0x2900  }
0x14: {  	_ =	swait.ge [sflag:s10], $0x2900  }
0x15: {  	[sflag:s10] =	ssyncset.done $0x0  }
0x16: {  	[sflag:s10] =	ssyncadd.s32 $0xFFFFD700  }
0x17: {  	[tilespmem:s3], [sflag:$0x1] =	stream.linear.gather [hbm4b:s6+s3], $0x2800, $0x38;
	[tilespmem:$0x1B000] =	vst v63  }
0x18: {  	_ =	swait.ge [sflag:s10], $0x2800  }
0x19: {  	[sflag:s10] =	ssyncset.done $0x0  }
0x1a: {  	[sflag:s10] =	ssyncadd.s32 $0xFFFFD800  }
0x1b: {  	s15 =	simm.s32 $0x0;
	[bflag:$0x0] =	sbarrier.arrive $0xFFFF  }
0x1c: {  	[spmem:s1] =	stream.indirect.scatter.add.f32 [tilespmem:s9], [sflag:$0x1], $0x80, s15, s13, $0xb8;
	[tilespmem:$0x1B000] =	vst v63  }
0x1d: {  	_ =	swait.ge [sflag:s10], $0x4000  }
0x1e: {  	s15 =	simm.s32 $0x200;
	[sflag:s10] =	ssyncset.done $0x0  }
.LBB2_2:
0x1f: {  	s16 =	sshra.s32 s15, $0x2;
	[sflag:s10] =	ssyncadd.s32 $0xFFFFC000;
	p0 =	sne.s32 s15, $0x9E00  }
0x20: {  	[spmem:s1] =	stream.indirect.scatter.add.f32 [tilespmem:s9], [sflag:$0x1], $0x80, s16, s13, $0xb8;
	[tilespmem:$0x1B000] =	vst v63  }
.Ltmp0:
0x21: {  	_ = 	snop;
	(pc) =	sbr.rel @p0 .LBB2_2-.Ltmp0, $4  }
0x22: {  	_ = 	snop  }
0x23: {  	s15 =	sadd.s32 $0x200, s15  }
0x24: {  	_ =	swait.ge [sflag:s10], $0x4000  }
0x25: {  	[sflag:s10] =	ssyncset.done $0x0  }
0x26: {  	s14 =	sadd.s32 $0x1, s14  }
0x27: {  	[sflag:s10] =	ssyncadd.s32 $0xFFFFC000;
	p0 =	sne.s32 s14, s8  }
.Ltmp1:
0x28: {  	[bflag:$0x0] =	sbarrier.arrive $0xFFFF;
	(pc) =	sbr.rel @p0 .LBB2_1-.Ltmp1, $4  }
0x29: {  	[hbm:s7], [sflag:s11] =	dma.local [spmem:s12], $0x2900  }
0x2a: {  	_ =	swait.ge [sflag:s10], $0x2900  }
0x2b: {  	[sflag:s10] =	ssyncset.done $0x0  }
0x2c: {  	[sflag:s10] =	ssyncadd.s32 $0xFFFFD700  }
0x2d: {  	_ =	sfence.sel $0x180000  }
0x2e: {  	[bflag:$0x0] =	sbarrier.arrive $0xFFFF  }
0x2f: {  	p0 =	sne.s32 s2, $0x0;
	_ =	strace $0x9000004A  }
0x30: {  	s0 =	sadd.s32 @!p0 $0x100000, s0;
	[bflag:$0x2] =	sbarrier.arrive $0xFFFF  }
0x31: {  	[sflag:s0] =	ssyncadd.tile.s32 @!p0 $0x1;
	_ =	shalt  }
.Lfunc_end2:
_tile_overlayer_lowered:
.L_overlay_start_2:
0x32: {  	(tag) =	ssettag $0x2  }
0x33: {  	s0 =	rddreg [dreg:$0x0];
	s2 =	stileid.u32  }
0x34: {  	s1 =	rddreg [dreg:$0x1];
	p0 =	sne.s32 s2, $0x0  }
0x35: {  	s3 =	rddreg [dreg:$0x2];
	[bflag:$0x3] =	sbarrier.arrive $0xFFFF;
	s2 =	simm.s32 @!p0 $0x1C01  }
0x36: {  	[timem:s3], [sflag:s2] =	dma.local @!p0 [hbm:s0], s1  }
0x37: {  	s0 =	simm.s32 @!p0 $0x1  }
0x38: {  	_ =	swait.ge @!p0 [sflag:s0], s1  }
0x39: {  	s1 =	ssub.s32 @!p0 $0x0, s1;
	[sflag:s0] =	ssyncset.done @!p0 $0x0  }
0x3a: {  	[sflag:s0] =	ssyncadd.s32 @!p0 s1  }
0x3b: {  	[bflag:$0x3] =	sbarrier.arrive $0xFFFF  }
0x3c: {  	_ =	shalt  }

</sc_bundles>
